<compile_context>
chip_gen: v7x
topology: tpu7x:2x2x1
jax: 0.10.2.dev20260603
libtpu: 0.0.44.dev20260713+nightly
codegen_flags: <defaults>
</compile_context>

<pallas_src>
import functools

import jax
import jax.numpy as jnp
from jax import lax
from jax.experimental import pallas as pl
from jax.experimental.pallas import tpu as pltpu
from jax.experimental.pallas import tpu_sc as plsc

_B = 16384
_D = 16
_MU = 3.5

_INFO = plsc.get_sparse_core_info()
_NC = _INFO.num_cores
_NS = _INFO.num_subcores
_L = _INFO.num_lanes
_NW = _NC * _NS
_BPW = _B // _NW
_NBLK = _BPW // _L


def _svd_bias_body(user_idx, item_idx, eu_w, ei_w, ub_w, ib_w, seg_hbm,
                   out_hbm,
                   idx_u, idx_i, rows_u, rows_i, prod, seg_v, ub_v, ib_v,
                   out_v, acc_sh, s0, s1, s2, s3, s4):
    sid = lax.axis_index("s")
    wid = sid * _NC + lax.axis_index("c")
    base = wid * _BPW

    pltpu.sync_copy(user_idx.at[pl.ds(base, _BPW)], idx_u)
    pltpu.sync_copy(item_idx.at[pl.ds(base, _BPW)], idx_i)

    cu = pltpu.async_copy(eu_w.at[idx_u], rows_u, s0)
    ci = pltpu.async_copy(ei_w.at[idx_i], rows_i, s1)
    cub = pltpu.async_copy(ub_w.at[idx_u], ub_v, s2)
    cib = pltpu.async_copy(ib_w.at[idx_i], ib_v, s3)
    cseg = pltpu.async_copy(seg_hbm, seg_v, s4)
    cub.wait()
    cib.wait()

    def bias_block(blk, carry):
        b0 = blk * _L
        out_v[pl.ds(b0, _L)] = ub_v[pl.ds(b0, _L)] + ib_v[pl.ds(b0, _L)] + _MU
        return carry

    lax.fori_loop(0, _NBLK, bias_block, 0)

    cu.wait()
    ci.wait()

    def prod_block(blk, carry):
        for r in range(_L):
            j = blk * _L + r
            prod[pl.ds(j * _D, _D)] = rows_u[j, :] * rows_i[j, :]
        return carry

    lax.fori_loop(0, _NBLK, prod_block, 0)

    pltpu.sync_copy(out_v, acc_sh.at[sid])
    cseg.wait()
    pltpu.sync_copy(prod, acc_sh.at[sid].at[seg_v], add=True)

    pltpu.sync_copy(acc_sh.at[sid], out_hbm.at[pl.ds(base, _BPW)])


_svd_bias = functools.partial(
    pl.kernel,
    mesh=plsc.VectorSubcoreMesh(core_axis_name="c", subcore_axis_name="s"),
    compiler_params=pltpu.CompilerParams(use_tc_tiling_on_sc=False),
    out_type=jax.ShapeDtypeStruct((_B,), jnp.float32),
    scratch_types=[
        pltpu.VMEM((_BPW,), jnp.int32),
        pltpu.VMEM((_BPW,), jnp.int32),
        pltpu.VMEM((_BPW, _D), jnp.float32),
        pltpu.VMEM((_BPW, _D), jnp.float32),
        pltpu.VMEM((_BPW * _D,), jnp.float32),
        pltpu.VMEM((_BPW * _D,), jnp.int32),
        pltpu.VMEM((_BPW,), jnp.float32),
        pltpu.VMEM((_BPW,), jnp.float32),
        pltpu.VMEM((_BPW,), jnp.float32),
        pltpu.VMEM_SHARED((_NS, _BPW), jnp.float32),
        pltpu.SemaphoreType.DMA,
        pltpu.SemaphoreType.DMA,
        pltpu.SemaphoreType.DMA,
        pltpu.SemaphoreType.DMA,
        pltpu.SemaphoreType.DMA,
    ],
)(_svd_bias_body)


def kernel(user_idx, item_idx, embed_user_w, embed_item_w, user_bias_w, item_bias_w):
    seg = jnp.arange(_BPW * _D, dtype=jnp.int32) // _D
    ident = lax.optimization_barrier(jnp.eye(_D, dtype=jnp.float32))
    eu_row = jnp.matmul(embed_user_w, ident, precision=lax.Precision.HIGHEST)
    ei_row = jnp.matmul(embed_item_w, ident, precision=lax.Precision.HIGHEST)
    return _svd_bias(user_idx.astype(jnp.int32), item_idx.astype(jnp.int32),
                     eu_row, ei_row,
                     user_bias_w.reshape(-1), item_bias_w.reshape(-1), seg)

# --- scband reference (transcript-rebuilt; emitter-appended) ---
"""Pipeline reference for scband-model-12309376270929 (READ-ONLY COPY).

The authoritative reference and input builder live on the scoring server;
editing this copy changes nothing except your own understanding.
"""

import jax, jax.numpy as jnp
import numpy as np

NUM_USERS = 1000000
NUM_ITEMS = 1000000
EMBED_DIM = 16
BATCH = 16384
MU = 3.5


def setup_inputs(seed: int = 0) -> dict:
    key = jax.random.key(seed)
    k1, k2, k3, k4, k5, k6 = jax.random.split(key, 6)
    user_idx = jax.random.randint(k1, (BATCH,), 0, NUM_USERS, dtype=jnp.int64 if jax.config.jax_enable_x64 else jnp.int32)
    item_idx = jax.random.randint(k2, (BATCH,), 0, NUM_ITEMS, dtype=jnp.int64 if jax.config.jax_enable_x64 else jnp.int32)
    # xavier_normal_ init: std = sqrt(2 / (fan_in + fan_out))
    std_user = (2.0 / (NUM_USERS + EMBED_DIM)) ** 0.5
    std_item = (2.0 / (NUM_ITEMS + EMBED_DIM)) ** 0.5
    std_ub = (2.0 / (NUM_USERS + 1)) ** 0.5
    std_ib = (2.0 / (NUM_ITEMS + 1)) ** 0.5
    embed_user_w = jax.random.normal(k3, (NUM_USERS, EMBED_DIM), dtype=jnp.float32) * std_user
    embed_item_w = jax.random.normal(k4, (NUM_ITEMS, EMBED_DIM), dtype=jnp.float32) * std_item
    user_bias_w = jax.random.normal(k5, (NUM_USERS, 1), dtype=jnp.float32) * std_ub
    item_bias_w = jax.random.normal(k6, (NUM_ITEMS, 1), dtype=jnp.float32) * std_ib
    return {
        "user_idx": user_idx,
        "item_idx": item_idx,
        "embed_user_w": embed_user_w,
        "embed_item_w": embed_item_w,
        "user_bias_w": user_bias_w,
        "item_bias_w": item_bias_w,
    }


def reference(user_idx, item_idx, embed_user_w, embed_item_w, user_bias_w, item_bias_w):
    # SVD-bias forward: rating = <u_e, i_e> + b_u + b_i + mu
    eu = jnp.take(embed_user_w, user_idx, axis=0)      # [B, D] gather
    ei = jnp.take(embed_item_w, item_idx, axis=0)      # [B, D] gather
    ub = jnp.take(user_bias_w, user_idx, axis=0)       # [B, 1] gather
    ib = jnp.take(item_bias_w, item_idx, axis=0)       # [B, 1] gather
    out = (eu * ei).sum(axis=1) + jnp.squeeze(ub, axis=-1) + jnp.squeeze(ib, axis=-1) + MU
    return out

if __name__ == "__main__":
    import jax
    _d = setup_inputs()
    print(jax.jit(kernel)(*tuple(_d.values())))

</pallas_src>

<mosaic_0001>
#map = affine_map<(d0, d1) -> (0)>
#map1 = affine_map<(d0, d1) -> (0, 0)>
module attributes {stable_mosaic.version = 14 : i64} {
  func.func @_svd_bias_body(%arg0: i32, %arg1: i32, %arg2: memref<16384xi32, #tpu.memory_space<hbm>>, %arg3: memref<16384xi32, #tpu.memory_space<hbm>>, %arg4: memref<1000000x16xf32, #tpu.memory_space<hbm>>, %arg5: memref<1000000x16xf32, #tpu.memory_space<hbm>>, %arg6: memref<1000000xf32, #tpu.memory_space<hbm>>, %arg7: memref<1000000xf32, #tpu.memory_space<hbm>>, %arg8: memref<8192xi32, #tpu.memory_space<hbm>>, %arg9: memref<16384xf32, #tpu.memory_space<hbm>>, %arg10: memref<512xi32, #tpu.memory_space<vmem>>, %arg11: memref<512xi32, #tpu.memory_space<vmem>>, %arg12: memref<512x16xf32, #tpu.memory_space<vmem>>, %arg13: memref<512x16xf32, #tpu.memory_space<vmem>>, %arg14: memref<8192xf32, #tpu.memory_space<vmem>>, %arg15: memref<8192xi32, #tpu.memory_space<vmem>>, %arg16: memref<512xf32, #tpu.memory_space<vmem>>, %arg17: memref<512xf32, #tpu.memory_space<vmem>>, %arg18: memref<512xf32, #tpu.memory_space<vmem>>, %arg19: memref<16x512xf32, #tpu.memory_space<vmem_shared>>, %arg20: memref<!tpu.dma_semaphore, #tpu.memory_space<semaphore_mem>>, %arg21: memref<!tpu.dma_semaphore, #tpu.memory_space<semaphore_mem>>, %arg22: memref<!tpu.dma_semaphore, #tpu.memory_space<semaphore_mem>>, %arg23: memref<!tpu.dma_semaphore, #tpu.memory_space<semaphore_mem>>, %arg24: memref<!tpu.dma_semaphore, #tpu.memory_space<semaphore_mem>>) attributes {dimension_semantics = [#tpu.dimension_semantics<core_parallel>, #tpu.dimension_semantics<subcore_parallel>], iteration_bounds = array<i64: 2, 16>, scalar_prefetch = 0 : i64, scratch_operands = 15 : i64, tpu.core_type = #tpu.core_type<sc_vector_subcore>, window_params = [{transform_indices = #map}, {transform_indices = #map}, {transform_indices = #map1}, {transform_indices = #map1}, {transform_indices = #map}, {transform_indices = #map}, {transform_indices = #map}, {transform_indices = #map}]} {
    %mul3A = arith.constant 2 : i32
    %mul3A_0 = arith.muli %arg1, %mul3A : i32
    %add3A = arith.addi %mul3A_0, %arg0 : i32
    %mul3A_1 = arith.constant 512 : i32
    %mul3A_2 = arith.muli %add3A, %mul3A_1 : i32
    "tpu.region"() ({
      %run_scoped3A = tpu.sem_alloc : memref<!tpu.dma_semaphore, #tpu.memory_space<semaphore_mem>>
      %dma_start3A_32 = tpu.memref_slice %arg2[%mul3A_2] : memref<16384xi32, #tpu.memory_space<hbm>> -> memref<512xi32, #tpu.memory_space<hbm>>
      %dma_start3A_33 = tpu.memref_slice %arg2[%mul3A_2] : memref<16384xi32, #tpu.memory_space<hbm>> -> memref<512xi32, #tpu.memory_space<hbm>>
      tpu.enqueue_dma source(%dma_start3A_33 : memref<512xi32, #tpu.memory_space<hbm>>) target(%arg10 : memref<512xi32, #tpu.memory_space<vmem>>) target_semaphore(%run_scoped3A : memref<!tpu.dma_semaphore, #tpu.memory_space<semaphore_mem>>)
      %dma_wait3A_34 = tpu.memref_slice %arg2[%mul3A_2] : memref<16384xi32, #tpu.memory_space<hbm>> -> memref<512xi32, #tpu.memory_space<hbm>>
      %dma_wait3A_35 = tpu.memref_slice %arg2[%mul3A_2] : memref<16384xi32, #tpu.memory_space<hbm>> -> memref<512xi32, #tpu.memory_space<hbm>>
      tpu.wait_dma2 semaphore(%run_scoped3A : memref<!tpu.dma_semaphore, #tpu.memory_space<semaphore_mem>>) src(%dma_wait3A_35 : memref<512xi32, #tpu.memory_space<hbm>>) dst(%arg10 : memref<512xi32, #tpu.memory_space<vmem>>)
      tpu.yield
    }) : () -> ()
    "tpu.region"() ({
      %run_scoped3A = tpu.sem_alloc : memref<!tpu.dma_semaphore, #tpu.memory_space<semaphore_mem>>
      %dma_start3A_32 = tpu.memref_slice %arg3[%mul3A_2] : memref<16384xi32, #tpu.memory_space<hbm>> -> memref<512xi32, #tpu.memory_space<hbm>>
      %dma_start3A_33 = tpu.memref_slice %arg3[%mul3A_2] : memref<16384xi32, #tpu.memory_space<hbm>> -> memref<512xi32, #tpu.memory_space<hbm>>
      tpu.enqueue_dma source(%dma_start3A_33 : memref<512xi32, #tpu.memory_space<hbm>>) target(%arg11 : memref<512xi32, #tpu.memory_space<vmem>>) target_semaphore(%run_scoped3A : memref<!tpu.dma_semaphore, #tpu.memory_space<semaphore_mem>>)
      %dma_wait3A_34 = tpu.memref_slice %arg3[%mul3A_2] : memref<16384xi32, #tpu.memory_space<hbm>> -> memref<512xi32, #tpu.memory_space<hbm>>
      %dma_wait3A_35 = tpu.memref_slice %arg3[%mul3A_2] : memref<16384xi32, #tpu.memory_space<hbm>> -> memref<512xi32, #tpu.memory_space<hbm>>
      tpu.wait_dma2 semaphore(%run_scoped3A : memref<!tpu.dma_semaphore, #tpu.memory_space<semaphore_mem>>) src(%dma_wait3A_35 : memref<512xi32, #tpu.memory_space<hbm>>) dst(%arg11 : memref<512xi32, #tpu.memory_space<vmem>>)
      tpu.yield
    }) : () -> ()
    %dma_start3A = arith.constant 0 : i32
    %dma_start3A_3 = arith.constant 0 : i32
    %dma_start3A_4 = tpu.memref_slice %arg4[%dma_start3A, %dma_start3A_3] : memref<1000000x16xf32, #tpu.memory_space<hbm>> -> memref<1000000x16xf32, #tpu.memory_space<hbm>>
    tpu.enqueue_indirect_dma source(%dma_start3A_4 : memref<1000000x16xf32, #tpu.memory_space<hbm>>) target(%arg12 : memref<512x16xf32, #tpu.memory_space<vmem>>) offsets(%arg10 : memref<512xi32, #tpu.memory_space<vmem>>) semaphore(%arg20 : memref<!tpu.dma_semaphore, #tpu.memory_space<semaphore_mem>>)
    %dma_start3A_5 = arith.constant 0 : i32
    %dma_start3A_6 = arith.constant 0 : i32
    %dma_start3A_7 = tpu.memref_slice %arg5[%dma_start3A_5, %dma_start3A_6] : memref<1000000x16xf32, #tpu.memory_space<hbm>> -> memref<1000000x16xf32, #tpu.memory_space<hbm>>
    tpu.enqueue_indirect_dma source(%dma_start3A_7 : memref<1000000x16xf32, #tpu.memory_space<hbm>>) target(%arg13 : memref<512x16xf32, #tpu.memory_space<vmem>>) offsets(%arg11 : memref<512xi32, #tpu.memory_space<vmem>>) semaphore(%arg21 : memref<!tpu.dma_semaphore, #tpu.memory_space<semaphore_mem>>)
    %dma_start3A_8 = arith.constant 0 : i32
    %dma_start3A_9 = tpu.memref_slice %arg6[%dma_start3A_8] : memref<1000000xf32, #tpu.memory_space<hbm>> -> memref<1000000xf32, #tpu.memory_space<hbm>>
    tpu.enqueue_indirect_dma source(%dma_start3A_9 : memref<1000000xf32, #tpu.memory_space<hbm>>) target(%arg16 : memref<512xf32, #tpu.memory_space<vmem>>) offsets(%arg10 : memref<512xi32, #tpu.memory_space<vmem>>) semaphore(%arg22 : memref<!tpu.dma_semaphore, #tpu.memory_space<semaphore_mem>>)
    %dma_start3A_10 = arith.constant 0 : i32
    %dma_start3A_11 = tpu.memref_slice %arg7[%dma_start3A_10] : memref<1000000xf32, #tpu.memory_space<hbm>> -> memref<1000000xf32, #tpu.memory_space<hbm>>
    tpu.enqueue_indirect_dma source(%dma_start3A_11 : memref<1000000xf32, #tpu.memory_space<hbm>>) target(%arg17 : memref<512xf32, #tpu.memory_space<vmem>>) offsets(%arg11 : memref<512xi32, #tpu.memory_space<vmem>>) semaphore(%arg23 : memref<!tpu.dma_semaphore, #tpu.memory_space<semaphore_mem>>)
    tpu.enqueue_dma source(%arg8 : memref<8192xi32, #tpu.memory_space<hbm>>) target(%arg15 : memref<8192xi32, #tpu.memory_space<vmem>>) target_semaphore(%arg24 : memref<!tpu.dma_semaphore, #tpu.memory_space<semaphore_mem>>)
    %dma_wait3A = arith.constant 0 : i32
    %dma_wait3A_12 = tpu.memref_slice %arg6[%dma_wait3A] : memref<1000000xf32, #tpu.memory_space<hbm>> -> memref<1000000xf32, #tpu.memory_space<hbm>>
    tpu.wait_indirect_dma semaphore(%arg22 : memref<!tpu.dma_semaphore, #tpu.memory_space<semaphore_mem>>) src(%dma_wait3A_12 : memref<1000000xf32, #tpu.memory_space<hbm>>) dst(%arg16 : memref<512xf32, #tpu.memory_space<vmem>>)
    %dma_wait3A_13 = arith.constant 0 : i32
    %dma_wait3A_14 = tpu.memref_slice %arg7[%dma_wait3A_13] : memref<1000000xf32, #tpu.memory_space<hbm>> -> memref<1000000xf32, #tpu.memory_space<hbm>>
    tpu.wait_indirect_dma semaphore(%arg23 : memref<!tpu.dma_semaphore, #tpu.memory_space<semaphore_mem>>) src(%dma_wait3A_14 : memref<1000000xf32, #tpu.memory_space<hbm>>) dst(%arg17 : memref<512xf32, #tpu.memory_space<vmem>>)
    %scan3A = arith.constant 0 : i32
    %scan3A_15 = arith.constant 0 : i32
    %scan3A_16 = arith.constant 32 : i32
    %scan3A_17 = arith.addi %scan3A_15, %scan3A_16 : i32
    %scan3A_18 = arith.constant 1 : i32
    scf.for %scan3A_32 = %scan3A_15 to %scan3A_17 step %scan3A_18  : i32 {
      %mul3A_33 = arith.constant 16 : i32
      %mul3A_34 = arith.muli %scan3A_32, %mul3A_33 : i32
      %get3A = arith.index_cast %mul3A_34 : i32 to index
      %get3A_35 = tpu.vector_load %arg16[%get3A] {strides = array<i32>} : memref<512xf32, #tpu.memory_space<vmem>>, vector<16xf32>,
      %get3A_36 = vector.shape_cast %get3A_35 : vector<16xf32> to vector<16xf32>
      %get3A_37 = arith.index_cast %mul3A_34 : i32 to index
      %get3A_38 = tpu.vector_load %arg17[%get3A_37] {strides = array<i32>} : memref<512xf32, #tpu.memory_space<vmem>>, vector<16xf32>,
      %get3A_39 = vector.shape_cast %get3A_38 : vector<16xf32> to vector<16xf32>
      %add3A_40 = arith.addf %get3A_36, %get3A_39 : vector<16xf32>
      %add3A_41 = arith.constant 3.500000e+00 : f32
      %add3A_42 = vector.broadcast %add3A_41 : f32 to vector<16xf32>
      %add3A_43 = arith.addf %add3A_40, %add3A_42 : vector<16xf32>
      %swap3A = arith.index_cast %mul3A_34 : i32 to index
      %swap3A_44 = tpu.vector_load %arg18[%swap3A] {strides = array<i32>} : memref<512xf32, #tpu.memory_space<vmem>>, vector<16xf32>,
      %swap3A_45 = vector.shape_cast %swap3A_44 : vector<16xf32> to vector<16xf32>
      %swap3A_46 = vector.shape_cast %add3A_43 : vector<16xf32> to vector<16xf32>
      tpu.vector_store %arg18[%swap3A], %swap3A_46 {strides = array<i32>} : memref<512xf32, #tpu.memory_space<vmem>>, vector<16xf32>,
    }
    %scan3A_19 = arith.constant 32 : i32
    %dma_wait3A_20 = arith.constant 0 : i32
    %dma_wait3A_21 = arith.constant 0 : i32
    %dma_wait3A_22 = tpu.memref_slice %arg4[%dma_wait3A_20, %dma_wait3A_21] : memref<1000000x16xf32, #tpu.memory_space<hbm>> -> memref<1000000x16xf32, #tpu.memory_space<hbm>>
    tpu.wait_indirect_dma semaphore(%arg20 : memref<!tpu.dma_semaphore, #tpu.memory_space<semaphore_mem>>) src(%dma_wait3A_22 : memref<1000000x16xf32, #tpu.memory_space<hbm>>) dst(%arg12 : memref<512x16xf32, #tpu.memory_space<vmem>>)
    %dma_wait3A_23 = arith.constant 0 : i32
    %dma_wait3A_24 = arith.constant 0 : i32
    %dma_wait3A_25 = tpu.memref_slice %arg5[%dma_wait3A_23, %dma_wait3A_24] : memref<1000000x16xf32, #tpu.memory_space<hbm>> -> memref<1000000x16xf32, #tpu.memory_space<hbm>>
    tpu.wait_indirect_dma semaphore(%arg21 : memref<!tpu.dma_semaphore, #tpu.memory_space<semaphore_mem>>) src(%dma_wait3A_25 : memref<1000000x16xf32, #tpu.memory_space<hbm>>) dst(%arg13 : memref<512x16xf32, #tpu.memory_space<vmem>>)
    %scan3A_26 = arith.constant 0 : i32
    %scan3A_27 = arith.constant 0 : i32
    %scan3A_28 = arith.constant 32 : i32
    %scan3A_29 = arith.addi %scan3A_27, %scan3A_28 : i32
    %scan3A_30 = arith.constant 1 : i32
    scf.for %scan3A_32 = %scan3A_27 to %scan3A_29 step %scan3A_30  : i32 {
      %mul3A_33 = arith.constant 16 : i32
      %mul3A_34 = arith.muli %scan3A_32, %mul3A_33 : i32
      %add3A_35 = arith.constant 0 : i32
      %add3A_36 = arith.addi %mul3A_34, %add3A_35 : i32
      %get3A = arith.index_cast %add3A_36 : i32 to index
      %get3A_37 = arith.constant 0 : index
      %get3A_38 = tpu.vector_load %arg12[%get3A, %get3A_37] {strides = array<i32>} : memref<512x16xf32, #tpu.memory_space<vmem>>, vector<1x16xf32>,
      %get3A_39 = vector.shape_cast %get3A_38 : vector<1x16xf32> to vector<16xf32>
      %get3A_40 = arith.index_cast %add3A_36 : i32 to index
      %get3A_41 = arith.constant 0 : index
      %get3A_42 = tpu.vector_load %arg13[%get3A_40, %get3A_41] {strides = array<i32>} : memref<512x16xf32, #tpu.memory_space<vmem>>, vector<1x16xf32>,
      %get3A_43 = vector.shape_cast %get3A_42 : vector<1x16xf32> to vector<16xf32>
      %mul3A_44 = arith.mulf %get3A_39, %get3A_43 : vector<16xf32>
      %mul3A_45 = arith.constant 16 : i32
      %mul3A_46 = arith.muli %add3A_36, %mul3A_45 : i32
      %swap3A = arith.index_cast %mul3A_46 : i32 to index
      %swap3A_47 = tpu.vector_load %arg14[%swap3A] {strides = array<i32>} : memref<8192xf32, #tpu.memory_space<vmem>>, vector<16xf32>,
      %swap3A_48 = vector.shape_cast %swap3A_47 : vector<16xf32> to vector<16xf32>
      %swap3A_49 = vector.shape_cast %mul3A_44 : vector<16xf32> to vector<16xf32>
      tpu.vector_store %arg14[%swap3A], %swap3A_49 {strides = array<i32>} : memref<8192xf32, #tpu.memory_space<vmem>>, vector<16xf32>,
      %mul3A_50 = arith.constant 16 : i32
      %mul3A_51 = arith.muli %scan3A_32, %mul3A_50 : i32
      %add3A_52 = arith.constant 1 : i32
      %add3A_53 = arith.addi %mul3A_51, %add3A_52 : i32
      %get3A_54 = arith.index_cast %add3A_53 : i32 to index
      %get3A_55 = arith.constant 0 : index
      %get3A_56 = tpu.vector_load %arg12[%get3A_54, %get3A_55] {strides = array<i32>} : memref<512x16xf32, #tpu.memory_space<vmem>>, vector<1x16xf32>,
      %get3A_57 = vector.shape_cast %get3A_56 : vector<1x16xf32> to vector<16xf32>
      %get3A_58 = arith.index_cast %add3A_53 : i32 to index
      %get3A_59 = arith.constant 0 : index
      %get3A_60 = tpu.vector_load %arg13[%get3A_58, %get3A_59] {strides = array<i32>} : memref<512x16xf32, #tpu.memory_space<vmem>>, vector<1x16xf32>,
      %get3A_61 = vector.shape_cast %get3A_60 : vector<1x16xf32> to vector<16xf32>
      %mul3A_62 = arith.mulf %get3A_57, %get3A_61 : vector<16xf32>
      %mul3A_63 = arith.constant 16 : i32
      %mul3A_64 = arith.muli %add3A_53, %mul3A_63 : i32
      %swap3A_65 = arith.index_cast %mul3A_64 : i32 to index
      %swap3A_66 = tpu.vector_load %arg14[%swap3A_65] {strides = array<i32>} : memref<8192xf32, #tpu.memory_space<vmem>>, vector<16xf32>,
      %swap3A_67 = vector.shape_cast %swap3A_66 : vector<16xf32> to vector<16xf32>
      %swap3A_68 = vector.shape_cast %mul3A_62 : vector<16xf32> to vector<16xf32>
      tpu.vector_store %arg14[%swap3A_65], %swap3A_68 {strides = array<i32>} : memref<8192xf32, #tpu.memory_space<vmem>>, vector<16xf32>,
      %mul3A_69 = arith.constant 16 : i32
      %mul3A_70 = arith.muli %scan3A_32, %mul3A_69 : i32
      %add3A_71 = arith.constant 2 : i32
      %add3A_72 = arith.addi %mul3A_70, %add3A_71 : i32
      %get3A_73 = arith.index_cast %add3A_72 : i32 to index
      %get3A_74 = arith.constant 0 : index
      %get3A_75 = tpu.vector_load %arg12[%get3A_73, %get3A_74] {strides = array<i32>} : memref<512x16xf32, #tpu.memory_space<vmem>>, vector<1x16xf32>,
      %get3A_76 = vector.shape_cast %get3A_75 : vector<1x16xf32> to vector<16xf32>
      %get3A_77 = arith.index_cast %add3A_72 : i32 to index
      %get3A_78 = arith.constant 0 : index
      %get3A_79 = tpu.vector_load %arg13[%get3A_77, %get3A_78] {strides = array<i32>} : memref<512x16xf32, #tpu.memory_space<vmem>>, vector<1x16xf32>,
      %get3A_80 = vector.shape_cast %get3A_79 : vector<1x16xf32> to vector<16xf32>
      %mul3A_81 = arith.mulf %get3A_76, %get3A_80 : vector<16xf32>
      %mul3A_82 = arith.constant 16 : i32
      %mul3A_83 = arith.muli %add3A_72, %mul3A_82 : i32
      %swap3A_84 = arith.index_cast %mul3A_83 : i32 to index
      %swap3A_85 = tpu.vector_load %arg14[%swap3A_84] {strides = array<i32>} : memref<8192xf32, #tpu.memory_space<vmem>>, vector<16xf32>,
      %swap3A_86 = vector.shape_cast %swap3A_85 : vector<16xf32> to vector<16xf32>
      %swap3A_87 = vector.shape_cast %mul3A_81 : vector<16xf32> to vector<16xf32>
      tpu.vector_store %arg14[%swap3A_84], %swap3A_87 {strides = array<i32>} : memref<8192xf32, #tpu.memory_space<vmem>>, vector<16xf32>,
      %mul3A_88 = arith.constant 16 : i32
      %mul3A_89 = arith.muli %scan3A_32, %mul3A_88 : i32
      %add3A_90 = arith.constant 3 : i32
      %add3A_91 = arith.addi %mul3A_89, %add3A_90 : i32
      %get3A_92 = arith.index_cast %add3A_91 : i32 to index
      %get3A_93 = arith.constant 0 : index
      %get3A_94 = tpu.vector_load %arg12[%get3A_92, %get3A_93] {strides = array<i32>} : memref<512x16xf32, #tpu.memory_space<vmem>>, vector<1x16xf32>,
      %get3A_95 = vector.shape_cast %get3A_94 : vector<1x16xf32> to vector<16xf32>
      %get3A_96 = arith.index_cast %add3A_91 : i32 to index
      %get3A_97 = arith.constant 0 : index
      %get3A_98 = tpu.vector_load %arg13[%get3A_96, %get3A_97] {strides = array<i32>} : memref<512x16xf32, #tpu.memory_space<vmem>>, vector<1x16xf32>,
      %get3A_99 = vector.shape_cast %get3A_98 : vector<1x16xf32> to vector<16xf32>
      %mul3A_100 = arith.mulf %get3A_95, %get3A_99 : vector<16xf32>
      %mul3A_101 = arith.constant 16 : i32
      %mul3A_102 = arith.muli %add3A_91, %mul3A_101 : i32
      %swap3A_103 = arith.index_cast %mul3A_102 : i32 to index
      %swap3A_104 = tpu.vector_load %arg14[%swap3A_103] {strides = array<i32>} : memref<8192xf32, #tpu.memory_space<vmem>>, vector<16xf32>,
      %swap3A_105 = vector.shape_cast %swap3A_104 : vector<16xf32> to vector<16xf32>
      %swap3A_106 = vector.shape_cast %mul3A_100 : vector<16xf32> to vector<16xf32>
      tpu.vector_store %arg14[%swap3A_103], %swap3A_106 {strides = array<i32>} : memref<8192xf32, #tpu.memory_space<vmem>>, vector<16xf32>,
      %mul3A_107 = arith.constant 16 : i32
      %mul3A_108 = arith.muli %scan3A_32, %mul3A_107 : i32
      %add3A_109 = arith.constant 4 : i32
      %add3A_110 = arith.addi %mul3A_108, %add3A_109 : i32
      %get3A_111 = arith.index_cast %add3A_110 : i32 to index
      %get3A_112 = arith.constant 0 : index
      %get3A_113 = tpu.vector_load %arg12[%get3A_111, %get3A_112] {strides = array<i32>} : memref<512x16xf32, #tpu.memory_space<vmem>>, vector<1x16xf32>,
      %get3A_114 = vector.shape_cast %get3A_113 : vector<1x16xf32> to vector<16xf32>
      %get3A_115 = arith.index_cast %add3A_110 : i32 to index
      %get3A_116 = arith.constant 0 : index
      %get3A_117 = tpu.vector_load %arg13[%get3A_115, %get3A_116] {strides = array<i32>} : memref<512x16xf32, #tpu.memory_space<vmem>>, vector<1x16xf32>,
      %get3A_118 = vector.shape_cast %get3A_117 : vector<1x16xf32> to vector<16xf32>
      %mul3A_119 = arith.mulf %get3A_114, %get3A_118 : vector<16xf32>
      %mul3A_120 = arith.constant 16 : i32
      %mul3A_121 = arith.muli %add3A_110, %mul3A_120 : i32
      %swap3A_122 = arith.index_cast %mul3A_121 : i32 to index
      %swap3A_123 = tpu.vector_load %arg14[%swap3A_122] {strides = array<i32>} : memref<8192xf32, #tpu.memory_space<vmem>>, vector<16xf32>,
      %swap3A_124 = vector.shape_cast %swap3A_123 : vector<16xf32> to vector<16xf32>
      %swap3A_125 = vector.shape_cast %mul3A_119 : vector<16xf32> to vector<16xf32>
      tpu.vector_store %arg14[%swap3A_122], %swap3A_125 {strides = array<i32>} : memref<8192xf32, #tpu.memory_space<vmem>>, vector<16xf32>,
      %mul3A_126 = arith.constant 16 : i32
      %mul3A_127 = arith.muli %scan3A_32, %mul3A_126 : i32
      %add3A_128 = arith.constant 5 : i32
      %add3A_129 = arith.addi %mul3A_127, %add3A_128 : i32
      %get3A_130 = arith.index_cast %add3A_129 : i32 to index
      %get3A_131 = arith.constant 0 : index
      %get3A_132 = tpu.vector_load %arg12[%get3A_130, %get3A_131] {strides = array<i32>} : memref<512x16xf32, #tpu.memory_space<vmem>>, vector<1x16xf32>,
      %get3A_133 = vector.shape_cast %get3A_132 : vector<1x16xf32> to vector<16xf32>
      %get3A_134 = arith.index_cast %add3A_129 : i32 to index
      %get3A_135 = arith.constant 0 : index
      %get3A_136 = tpu.vector_load %arg13[%get3A_134, %get3A_135] {strides = array<i32>} : memref<512x16xf32, #tpu.memory_space<vmem>>, vector<1x16xf32>,
      %get3A_137 = vector.shape_cast %get3A_136 : vector<1x16xf32> to vector<16xf32>
      %mul3A_138 = arith.mulf %get3A_133, %get3A_137 : vector<16xf32>
      %mul3A_139 = arith.constant 16 : i32
      %mul3A_140 = arith.muli %add3A_129, %mul3A_139 : i32
      %swap3A_141 = arith.index_cast %mul3A_140 : i32 to index
      %swap3A_142 = tpu.vector_load %arg14[%swap3A_141] {strides = array<i32>} : memref<8192xf32, #tpu.memory_space<vmem>>, vector<16xf32>,
      %swap3A_143 = vector.shape_cast %swap3A_142 : vector<16xf32> to vector<16xf32>
      %swap3A_144 = vector.shape_cast %mul3A_138 : vector<16xf32> to vector<16xf32>
      tpu.vector_store %arg14[%swap3A_141], %swap3A_144 {strides = array<i32>} : memref<8192xf32, #tpu.memory_space<vmem>>, vector<16xf32>,
      %mul3A_145 = arith.constant 16 : i32
      %mul3A_146 = arith.muli %scan3A_32, %mul3A_145 : i32
      %add3A_147 = arith.constant 6 : i32
      %add3A_148 = arith.addi %mul3A_146, %add3A_147 : i32
      %get3A_149 = arith.index_cast %add3A_148 : i32 to index
      %get3A_150 = arith.constant 0 : index
      %get3A_151 = tpu.vector_load %arg12[%get3A_149, %get3A_150] {strides = array<i32>} : memref<512x16xf32, #tpu.memory_space<vmem>>, vector<1x16xf32>,
      %get3A_152 = vector.shape_cast %get3A_151 : vector<1x16xf32> to vector<16xf32>
      %get3A_153 = arith.index_cast %add3A_148 : i32 to index
      %get3A_154 = arith.constant 0 : index
      %get3A_155 = tpu.vector_load %arg13[%get3A_153, %get3A_154] {strides = array<i32>} : memref<512x16xf32, #tpu.memory_space<vmem>>, vector<1x16xf32>,
      %get3A_156 = vector.shape_cast %get3A_155 : vector<1x16xf32> to vector<16xf32>
      %mul3A_157 = arith.mulf %get3A_152, %get3A_156 : vector<16xf32>
      %mul3A_158 = arith.constant 16 : i32
      %mul3A_159 = arith.muli %add3A_148, %mul3A_158 : i32
      %swap3A_160 = arith.index_cast %mul3A_159 : i32 to index
      %swap3A_161 = tpu.vector_load %arg14[%swap3A_160] {strides = array<i32>} : memref<8192xf32, #tpu.memory_space<vmem>>, vector<16xf32>,
      %swap3A_162 = vector.shape_cast %swap3A_161 : vector<16xf32> to vector<16xf32>
      %swap3A_163 = vector.shape_cast %mul3A_157 : vector<16xf32> to vector<16xf32>
      tpu.vector_store %arg14[%swap3A_160], %swap3A_163 {strides = array<i32>} : memref<8192xf32, #tpu.memory_space<vmem>>, vector<16xf32>,
      %mul3A_164 = arith.constant 16 : i32
      %mul3A_165 = arith.muli %scan3A_32, %mul3A_164 : i32
      %add3A_166 = arith.constant 7 : i32
      %add3A_167 = arith.addi %mul3A_165, %add3A_166 : i32
      %get3A_168 = arith.index_cast %add3A_167 : i32 to index
      %get3A_169 = arith.constant 0 : index
      %get3A_170 = tpu.vector_load %arg12[%get3A_168, %get3A_169] {strides = array<i32>} : memref<512x16xf32, #tpu.memory_space<vmem>>, vector<1x16xf32>,
      %get3A_171 = vector.shape_cast %get3A_170 : vector<1x16xf32> to vector<16xf32>
      %get3A_172 = arith.index_cast %add3A_167 : i32 to index
      %get3A_173 = arith.constant 0 : index
      %get3A_174 = tpu.vector_load %arg13[%get3A_172, %get3A_173] {strides = array<i32>} : memref<512x16xf32, #tpu.memory_space<vmem>>, vector<1x16xf32>,
      %get3A_175 = vector.shape_cast %get3A_174 : vector<1x16xf32> to vector<16xf32>
      %mul3A_176 = arith.mulf %get3A_171, %get3A_175 : vector<16xf32>
      %mul3A_177 = arith.constant 16 : i32
      %mul3A_178 = arith.muli %add3A_167, %mul3A_177 : i32
      %swap3A_179 = arith.index_cast %mul3A_178 : i32 to index
      %swap3A_180 = tpu.vector_load %arg14[%swap3A_179] {strides = array<i32>} : memref<8192xf32, #tpu.memory_space<vmem>>, vector<16xf32>,
      %swap3A_181 = vector.shape_cast %swap3A_180 : vector<16xf32> to vector<16xf32>
      %swap3A_182 = vector.shape_cast %mul3A_176 : vector<16xf32> to vector<16xf32>
      tpu.vector_store %arg14[%swap3A_179], %swap3A_182 {strides = array<i32>} : memref<8192xf32, #tpu.memory_space<vmem>>, vector<16xf32>,
      %mul3A_183 = arith.constant 16 : i32
      %mul3A_184 = arith.muli %scan3A_32, %mul3A_183 : i32
      %add3A_185 = arith.constant 8 : i32
      %add3A_186 = arith.addi %mul3A_184, %add3A_185 : i32
      %get3A_187 = arith.index_cast %add3A_186 : i32 to index
      %get3A_188 = arith.constant 0 : index
      %get3A_189 = tpu.vector_load %arg12[%get3A_187, %get3A_188] {strides = array<i32>} : memref<512x16xf32, #tpu.memory_space<vmem>>, vector<1x16xf32>,
      %get3A_190 = vector.shape_cast %get3A_189 : vector<1x16xf32> to vector<16xf32>
      %get3A_191 = arith.index_cast %add3A_186 : i32 to index
      %get3A_192 = arith.constant 0 : index
      %get3A_193 = tpu.vector_load %arg13[%get3A_191, %get3A_192] {strides = array<i32>} : memref<512x16xf32, #tpu.memory_space<vmem>>, vector<1x16xf32>,
      %get3A_194 = vector.shape_cast %get3A_193 : vector<1x16xf32> to vector<16xf32>
      %mul3A_195 = arith.mulf %get3A_190, %get3A_194 : vector<16xf32>
      %mul3A_196 = arith.constant 16 : i32
      %mul3A_197 = arith.muli %add3A_186, %mul3A_196 : i32
      %swap3A_198 = arith.index_cast %mul3A_197 : i32 to index
      %swap3A_199 = tpu.vector_load %arg14[%swap3A_198] {strides = array<i32>} : memref<8192xf32, #tpu.memory_space<vmem>>, vector<16xf32>,
      %swap3A_200 = vector.shape_cast %swap3A_199 : vector<16xf32> to vector<16xf32>
      %swap3A_201 = vector.shape_cast %mul3A_195 : vector<16xf32> to vector<16xf32>
      tpu.vector_store %arg14[%swap3A_198], %swap3A_201 {strides = array<i32>} : memref<8192xf32, #tpu.memory_space<vmem>>, vector<16xf32>,
      %mul3A_202 = arith.constant 16 : i32
      %mul3A_203 = arith.muli %scan3A_32, %mul3A_202 : i32
      %add3A_204 = arith.constant 9 : i32
      %add3A_205 = arith.addi %mul3A_203, %add3A_204 : i32
      %get3A_206 = arith.index_cast %add3A_205 : i32 to index
      %get3A_207 = arith.constant 0 : index
      %get3A_208 = tpu.vector_load %arg12[%get3A_206, %get3A_207] {strides = array<i32>} : memref<512x16xf32, #tpu.memory_space<vmem>>, vector<1x16xf32>,
      %get3A_209 = vector.shape_cast %get3A_208 : vector<1x16xf32> to vector<16xf32>
      %get3A_210 = arith.index_cast %add3A_205 : i32 to index
      %get3A_211 = arith.constant 0 : index
      %get3A_212 = tpu.vector_load %arg13[%get3A_210, %get3A_211] {strides = array<i32>} : memref<512x16xf32, #tpu.memory_space<vmem>>, vector<1x16xf32>,
      %get3A_213 = vector.shape_cast %get3A_212 : vector<1x16xf32> to vector<16xf32>
      %mul3A_214 = arith.mulf %get3A_209, %get3A_213 : vector<16xf32>
      %mul3A_215 = arith.constant 16 : i32
      %mul3A_216 = arith.muli %add3A_205, %mul3A_215 : i32
      %swap3A_217 = arith.index_cast %mul3A_216 : i32 to index
      %swap3A_218 = tpu.vector_load %arg14[%swap3A_217] {strides = array<i32>} : memref<8192xf32, #tpu.memory_space<vmem>>, vector<16xf32>,
      %swap3A_219 = vector.shape_cast %swap3A_218 : vector<16xf32> to vector<16xf32>
      %swap3A_220 = vector.shape_cast %mul3A_214 : vector<16xf32> to vector<16xf32>
      tpu.vector_store %arg14[%swap3A_217], %swap3A_220 {strides = array<i32>} : memref<8192xf32, #tpu.memory_space<vmem>>, vector<16xf32>,
      %mul3A_221 = arith.constant 16 : i32
      %mul3A_222 = arith.muli %scan3A_32, %mul3A_221 : i32
      %add3A_223 = arith.constant 10 : i32
      %add3A_224 = arith.addi %mul3A_222, %add3A_223 : i32
      %get3A_225 = arith.index_cast %add3A_224 : i32 to index
      %get3A_226 = arith.constant 0 : index
      %get3A_227 = tpu.vector_load %arg12[%get3A_225, %get3A_226] {strides = array<i32>} : memref<512x16xf32, #tpu.memory_space<vmem>>, vector<1x16xf32>,
      %get3A_228 = vector.shape_cast %get3A_227 : vector<1x16xf32> to vector<16xf32>
      %get3A_229 = arith.index_cast %add3A_224 : i32 to index
      %get3A_230 = arith.constant 0 : index
      %get3A_231 = tpu.vector_load %arg13[%get3A_229, %get3A_230] {strides = array<i32>} : memref<512x16xf32, #tpu.memory_space<vmem>>, vector<1x16xf32>,
      %get3A_232 = vector.shape_cast %get3A_231 : vector<1x16xf32> to vector<16xf32>
      %mul3A_233 = arith.mulf %get3A_228, %get3A_232 : vector<16xf32>
      %mul3A_234 = arith.constant 16 : i32
      %mul3A_235 = arith.muli %add3A_224, %mul3A_234 : i32
      %swap3A_236 = arith.index_cast %mul3A_235 : i32 to index
      %swap3A_237 = tpu.vector_load %arg14[%swap3A_236] {strides = array<i32>} : memref<8192xf32, #tpu.memory_space<vmem>>, vector<16xf32>,
      %swap3A_238 = vector.shape_cast %swap3A_237 : vector<16xf32> to vector<16xf32>
      %swap3A_239 = vector.shape_cast %mul3A_233 : vector<16xf32> to vector<16xf32>
      tpu.vector_store %arg14[%swap3A_236], %swap3A_239 {strides = array<i32>} : memref<8192xf32, #tpu.memory_space<vmem>>, vector<16xf32>,
      %mul3A_240 = arith.constant 16 : i32
      %mul3A_241 = arith.muli %scan3A_32, %mul3A_240 : i32
      %add3A_242 = arith.constant 11 : i32
      %add3A_243 = arith.addi %mul3A_241, %add3A_242 : i32
      %get3A_244 = arith.index_cast %add3A_243 : i32 to index
      %get3A_245 = arith.constant 0 : index
      %get3A_246 = tpu.vector_load %arg12[%get3A_244, %get3A_245] {strides = array<i32>} : memref<512x16xf32, #tpu.memory_space<vmem>>, vector<1x16xf32>,
      %get3A_247 = vector.shape_cast %get3A_246 : vector<1x16xf32> to vector<16xf32>
      %get3A_248 = arith.index_cast %add3A_243 : i32 to index
      %get3A_249 = arith.constant 0 : index
      %get3A_250 = tpu.vector_load %arg13[%get3A_248, %get3A_249] {strides = array<i32>} : memref<512x16xf32, #tpu.memory_space<vmem>>, vector<1x16xf32>,
      %get3A_251 = vector.shape_cast %get3A_250 : vector<1x16xf32> to vector<16xf32>
      %mul3A_252 = arith.mulf %get3A_247, %get3A_251 : vector<16xf32>
      %mul3A_253 = arith.constant 16 : i32
      %mul3A_254 = arith.muli %add3A_243, %mul3A_253 : i32
      %swap3A_255 = arith.index_cast %mul3A_254 : i32 to index
      %swap3A_256 = tpu.vector_load %arg14[%swap3A_255] {strides = array<i32>} : memref<8192xf32, #tpu.memory_space<vmem>>, vector<16xf32>,
      %swap3A_257 = vector.shape_cast %swap3A_256 : vector<16xf32> to vector<16xf32>
      %swap3A_258 = vector.shape_cast %mul3A_252 : vector<16xf32> to vector<16xf32>
      tpu.vector_store %arg14[%swap3A_255], %swap3A_258 {strides = array<i32>} : memref<8192xf32, #tpu.memory_space<vmem>>, vector<16xf32>,
      %mul3A_259 = arith.constant 16 : i32
      %mul3A_260 = arith.muli %scan3A_32, %mul3A_259 : i32
      %add3A_261 = arith.constant 12 : i32
      %add3A_262 = arith.addi %mul3A_260, %add3A_261 : i32
      %get3A_263 = arith.index_cast %add3A_262 : i32 to index
      %get3A_264 = arith.constant 0 : index
      %get3A_265 = tpu.vector_load %arg12[%get3A_263, %get3A_264] {strides = array<i32>} : memref<512x16xf32, #tpu.memory_space<vmem>>, vector<1x16xf32>,
      %get3A_266 = vector.shape_cast %get3A_265 : vector<1x16xf32> to vector<16xf32>
      %get3A_267 = arith.index_cast %add3A_262 : i32 to index
      %get3A_268 = arith.constant 0 : index
      %get3A_269 = tpu.vector_load %arg13[%get3A_267, %get3A_268] {strides = array<i32>} : memref<512x16xf32, #tpu.memory_space<vmem>>, vector<1x16xf32>,
      %get3A_270 = vector.shape_cast %get3A_269 : vector<1x16xf32> to vector<16xf32>
      %mul3A_271 = arith.mulf %get3A_266, %get3A_270 : vector<16xf32>
      %mul3A_272 = arith.constant 16 : i32
      %mul3A_273 = arith.muli %add3A_262, %mul3A_272 : i32
      %swap3A_274 = arith.index_cast %mul3A_273 : i32 to index
      %swap3A_275 = tpu.vector_load %arg14[%swap3A_274] {strides = array<i32>} : memref<8192xf32, #tpu.memory_space<vmem>>, vector<16xf32>,
      %swap3A_276 = vector.shape_cast %swap3A_275 : vector<16xf32> to vector<16xf32>
      %swap3A_277 = vector.shape_cast %mul3A_271 : vector<16xf32> to vector<16xf32>
      tpu.vector_store %arg14[%swap3A_274], %swap3A_277 {strides = array<i32>} : memref<8192xf32, #tpu.memory_space<vmem>>, vector<16xf32>,
      %mul3A_278 = arith.constant 16 : i32
      %mul3A_279 = arith.muli %scan3A_32, %mul3A_278 : i32
      %add3A_280 = arith.constant 13 : i32
      %add3A_281 = arith.addi %mul3A_279, %add3A_280 : i32
      %get3A_282 = arith.index_cast %add3A_281 : i32 to index
      %get3A_283 = arith.constant 0 : index
      %get3A_284 = tpu.vector_load %arg12[%get3A_282, %get3A_283] {strides = array<i32>} : memref<512x16xf32, #tpu.memory_space<vmem>>, vector<1x16xf32>,
      %get3A_285 = vector.shape_cast %get3A_284 : vector<1x16xf32> to vector<16xf32>
      %get3A_286 = arith.index_cast %add3A_281 : i32 to index
      %get3A_287 = arith.constant 0 : index
      %get3A_288 = tpu.vector_load %arg13[%get3A_286, %get3A_287] {strides = array<i32>} : memref<512x16xf32, #tpu.memory_space<vmem>>, vector<1x16xf32>,
      %get3A_289 = vector.shape_cast %get3A_288 : vector<1x16xf32> to vector<16xf32>
      %mul3A_290 = arith.mulf %get3A_285, %get3A_289 : vector<16xf32>
      %mul3A_291 = arith.constant 16 : i32
      %mul3A_292 = arith.muli %add3A_281, %mul3A_291 : i32
      %swap3A_293 = arith.index_cast %mul3A_292 : i32 to index
      %swap3A_294 = tpu.vector_load %arg14[%swap3A_293] {strides = array<i32>} : memref<8192xf32, #tpu.memory_space<vmem>>, vector<16xf32>,
      %swap3A_295 = vector.shape_cast %swap3A_294 : vector<16xf32> to vector<16xf32>
      %swap3A_296 = vector.shape_cast %mul3A_290 : vector<16xf32> to vector<16xf32>
      tpu.vector_store %arg14[%swap3A_293], %swap3A_296 {strides = array<i32>} : memref<8192xf32, #tpu.memory_space<vmem>>, vector<16xf32>,
      %mul3A_297 = arith.constant 16 : i32
      %mul3A_298 = arith.muli %scan3A_32, %mul3A_297 : i32
      %add3A_299 = arith.constant 14 : i32
      %add3A_300 = arith.addi %mul3A_298, %add3A_299 : i32
      %get3A_301 = arith.index_cast %add3A_300 : i32 to index
      %get3A_302 = arith.constant 0 : index
      %get3A_303 = tpu.vector_load %arg12[%get3A_301, %get3A_302] {strides = array<i32>} : memref<512x16xf32, #tpu.memory_space<vmem>>, vector<1x16xf32>,
      %get3A_304 = vector.shape_cast %get3A_303 : vector<1x16xf32> to vector<16xf32>
      %get3A_305 = arith.index_cast %add3A_300 : i32 to index
      %get3A_306 = arith.constant 0 : index
      %get3A_307 = tpu.vector_load %arg13[%get3A_305, %get3A_306] {strides = array<i32>} : memref<512x16xf32, #tpu.memory_space<vmem>>, vector<1x16xf32>,
      %get3A_308 = vector.shape_cast %get3A_307 : vector<1x16xf32> to vector<16xf32>
      %mul3A_309 = arith.mulf %get3A_304, %get3A_308 : vector<16xf32>
      %mul3A_310 = arith.constant 16 : i32
      %mul3A_311 = arith.muli %add3A_300, %mul3A_310 : i32
      %swap3A_312 = arith.index_cast %mul3A_311 : i32 to index
      %swap3A_313 = tpu.vector_load %arg14[%swap3A_312] {strides = array<i32>} : memref<8192xf32, #tpu.memory_space<vmem>>, vector<16xf32>,
      %swap3A_314 = vector.shape_cast %swap3A_313 : vector<16xf32> to vector<16xf32>
      %swap3A_315 = vector.shape_cast %mul3A_309 : vector<16xf32> to vector<16xf32>
      tpu.vector_store %arg14[%swap3A_312], %swap3A_315 {strides = array<i32>} : memref<8192xf32, #tpu.memory_space<vmem>>, vector<16xf32>,
      %mul3A_316 = arith.constant 16 : i32
      %mul3A_317 = arith.muli %scan3A_32, %mul3A_316 : i32
      %add3A_318 = arith.constant 15 : i32
      %add3A_319 = arith.addi %mul3A_317, %add3A_318 : i32
      %get3A_320 = arith.index_cast %add3A_319 : i32 to index
      %get3A_321 = arith.constant 0 : index
      %get3A_322 = tpu.vector_load %arg12[%get3A_320, %get3A_321] {strides = array<i32>} : memref<512x16xf32, #tpu.memory_space<vmem>>, vector<1x16xf32>,
      %get3A_323 = vector.shape_cast %get3A_322 : vector<1x16xf32> to vector<16xf32>
      %get3A_324 = arith.index_cast %add3A_319 : i32 to index
      %get3A_325 = arith.constant 0 : index
      %get3A_326 = tpu.vector_load %arg13[%get3A_324, %get3A_325] {strides = array<i32>} : memref<512x16xf32, #tpu.memory_space<vmem>>, vector<1x16xf32>,
      %get3A_327 = vector.shape_cast %get3A_326 : vector<1x16xf32> to vector<16xf32>
      %mul3A_328 = arith.mulf %get3A_323, %get3A_327 : vector<16xf32>
      %mul3A_329 = arith.constant 16 : i32
      %mul3A_330 = arith.muli %add3A_319, %mul3A_329 : i32
      %swap3A_331 = arith.index_cast %mul3A_330 : i32 to index
      %swap3A_332 = tpu.vector_load %arg14[%swap3A_331] {strides = array<i32>} : memref<8192xf32, #tpu.memory_space<vmem>>, vector<16xf32>,
      %swap3A_333 = vector.shape_cast %swap3A_332 : vector<16xf32> to vector<16xf32>
      %swap3A_334 = vector.shape_cast %mul3A_328 : vector<16xf32> to vector<16xf32>
      tpu.vector_store %arg14[%swap3A_331], %swap3A_334 {strides = array<i32>} : memref<8192xf32, #tpu.memory_space<vmem>>, vector<16xf32>,
    }
    %scan3A_31 = arith.constant 32 : i32
    "tpu.region"() ({
      %run_scoped3A = tpu.sem_alloc : memref<!tpu.dma_semaphore, #tpu.memory_space<semaphore_mem>>
      %dma_start3A_32 = arith.constant 0 : i32
      %dma_start3A_33 = tpu.memref_slice %arg19[%arg1, %dma_start3A_32] : memref<16x512xf32, #tpu.memory_space<vmem_shared>> -> memref<1x512xf32, #tpu.memory_space<vmem_shared>>
      %dma_start3A_34 = tpu.memref_squeeze %dma_start3A_33 : memref<1x512xf32, #tpu.memory_space<vmem_shared>> -> memref<512xf32, #tpu.memory_space<vmem_shared>>
      %dma_start3A_35 = arith.constant 0 : i32
      %dma_start3A_36 = tpu.memref_slice %arg19[%arg1, %dma_start3A_35] : memref<16x512xf32, #tpu.memory_space<vmem_shared>> -> memref<1x512xf32, #tpu.memory_space<vmem_shared>>
      %dma_start3A_37 = tpu.memref_squeeze %dma_start3A_36 : memref<1x512xf32, #tpu.memory_space<vmem_shared>> -> memref<512xf32, #tpu.memory_space<vmem_shared>>
      tpu.enqueue_dma source(%arg18 : memref<512xf32, #tpu.memory_space<vmem>>) target(%dma_start3A_37 : memref<512xf32, #tpu.memory_space<vmem_shared>>) target_semaphore(%run_scoped3A : memref<!tpu.dma_semaphore, #tpu.memory_space<semaphore_mem>>)
      %dma_wait3A_38 = arith.constant 0 : i32
      %dma_wait3A_39 = tpu.memref_slice %arg19[%arg1, %dma_wait3A_38] : memref<16x512xf32, #tpu.memory_space<vmem_shared>> -> memref<1x512xf32, #tpu.memory_space<vmem_shared>>
      %dma_wait3A_40 = tpu.memref_squeeze %dma_wait3A_39 : memref<1x512xf32, #tpu.memory_space<vmem_shared>> -> memref<512xf32, #tpu.memory_space<vmem_shared>>
      %dma_wait3A_41 = arith.constant 0 : i32
      %dma_wait3A_42 = tpu.memref_slice %arg19[%arg1, %dma_wait3A_41] : memref<16x512xf32, #tpu.memory_space<vmem_shared>> -> memref<1x512xf32, #tpu.memory_space<vmem_shared>>
      %dma_wait3A_43 = tpu.memref_squeeze %dma_wait3A_42 : memref<1x512xf32, #tpu.memory_space<vmem_shared>> -> memref<512xf32, #tpu.memory_space<vmem_shared>>
      tpu.wait_dma2 semaphore(%run_scoped3A : memref<!tpu.dma_semaphore, #tpu.memory_space<semaphore_mem>>) src(%arg18 : memref<512xf32, #tpu.memory_space<vmem>>) dst(%dma_wait3A_43 : memref<512xf32, #tpu.memory_space<vmem_shared>>)
      tpu.yield
    }) : () -> ()
    tpu.wait_dma2 semaphore(%arg24 : memref<!tpu.dma_semaphore, #tpu.memory_space<semaphore_mem>>) src(%arg8 : memref<8192xi32, #tpu.memory_space<hbm>>) dst(%arg15 : memref<8192xi32, #tpu.memory_space<vmem>>)
    "tpu.region"() ({
      %run_scoped3A = tpu.sem_alloc : memref<!tpu.dma_semaphore, #tpu.memory_space<semaphore_mem>>
      %dma_start3A_32 = arith.constant 0 : i32
      %dma_start3A_33 = tpu.memref_slice %arg19[%arg1, %dma_start3A_32] : memref<16x512xf32, #tpu.memory_space<vmem_shared>> -> memref<1x512xf32, #tpu.memory_space<vmem_shared>>
      %dma_start3A_34 = tpu.memref_squeeze %dma_start3A_33 : memref<1x512xf32, #tpu.memory_space<vmem_shared>> -> memref<512xf32, #tpu.memory_space<vmem_shared>>
      %dma_start3A_35 = arith.constant 0 : i32
      %dma_start3A_36 = tpu.memref_slice %dma_start3A_34[%dma_start3A_35] : memref<512xf32, #tpu.memory_space<vmem_shared>> -> memref<512xf32, #tpu.memory_space<vmem_shared>>
      tpu.enqueue_indirect_dma source(%arg14 : memref<8192xf32, #tpu.memory_space<vmem>>) target(%dma_start3A_36 : memref<512xf32, #tpu.memory_space<vmem_shared>>) offsets(%arg15 : memref<8192xi32, #tpu.memory_space<vmem>>) semaphore(%run_scoped3A : memref<!tpu.dma_semaphore, #tpu.memory_space<semaphore_mem>>) {add = true}
      %dma_wait3A_37 = arith.constant 0 : i32
      %dma_wait3A_38 = tpu.memref_slice %arg19[%arg1, %dma_wait3A_37] : memref<16x512xf32, #tpu.memory_space<vmem_shared>> -> memref<1x512xf32, #tpu.memory_space<vmem_shared>>
      %dma_wait3A_39 = tpu.memref_squeeze %dma_wait3A_38 : memref<1x512xf32, #tpu.memory_space<vmem_shared>> -> memref<512xf32, #tpu.memory_space<vmem_shared>>
      %dma_wait3A_40 = arith.constant 0 : i32
      %dma_wait3A_41 = tpu.memref_slice %dma_wait3A_39[%dma_wait3A_40] : memref<512xf32, #tpu.memory_space<vmem_shared>> -> memref<512xf32, #tpu.memory_space<vmem_shared>>
      tpu.wait_indirect_dma semaphore(%run_scoped3A : memref<!tpu.dma_semaphore, #tpu.memory_space<semaphore_mem>>) src(%arg14 : memref<8192xf32, #tpu.memory_space<vmem>>) dst(%dma_wait3A_41 : memref<512xf32, #tpu.memory_space<vmem_shared>>)
      tpu.yield
    }) : () -> ()
    "tpu.region"() ({
      %run_scoped3A = tpu.sem_alloc : memref<!tpu.dma_semaphore, #tpu.memory_space<semaphore_mem>>
      %dma_start3A_32 = tpu.memref_slice %arg9[%mul3A_2] : memref<16384xf32, #tpu.memory_space<hbm>> -> memref<512xf32, #tpu.memory_space<hbm>>
      %dma_start3A_33 = arith.constant 0 : i32
      %dma_start3A_34 = tpu.memref_slice %arg19[%arg1, %dma_start3A_33] : memref<16x512xf32, #tpu.memory_space<vmem_shared>> -> memref<1x512xf32, #tpu.memory_space<vmem_shared>>
      %dma_start3A_35 = tpu.memref_squeeze %dma_start3A_34 : memref<1x512xf32, #tpu.memory_space<vmem_shared>> -> memref<512xf32, #tpu.memory_space<vmem_shared>>
      tpu.enqueue_dma source(%dma_start3A_35 : memref<512xf32, #tpu.memory_space<vmem_shared>>) target(%dma_start3A_32 : memref<512xf32, #tpu.memory_space<hbm>>) target_semaphore(%run_scoped3A : memref<!tpu.dma_semaphore, #tpu.memory_space<semaphore_mem>>)
      %dma_wait3A_36 = tpu.memref_slice %arg9[%mul3A_2] : memref<16384xf32, #tpu.memory_space<hbm>> -> memref<512xf32, #tpu.memory_space<hbm>>
      %dma_wait3A_37 = arith.constant 0 : i32
      %dma_wait3A_38 = tpu.memref_slice %arg19[%arg1, %dma_wait3A_37] : memref<16x512xf32, #tpu.memory_space<vmem_shared>> -> memref<1x512xf32, #tpu.memory_space<vmem_shared>>
      %dma_wait3A_39 = tpu.memref_squeeze %dma_wait3A_38 : memref<1x512xf32, #tpu.memory_space<vmem_shared>> -> memref<512xf32, #tpu.memory_space<vmem_shared>>
      tpu.wait_dma2 semaphore(%run_scoped3A : memref<!tpu.dma_semaphore, #tpu.memory_space<semaphore_mem>>) src(%dma_wait3A_39 : memref<512xf32, #tpu.memory_space<vmem_shared>>) dst(%dma_wait3A_36 : memref<512xf32, #tpu.memory_space<hbm>>)
      tpu.yield
    }) : () -> ()
    return
  }
}

</mosaic_0001>

<sc_bundles>
// kernel: kernel.3.cloned.1.call-start
scs
__scs_entry_jumppad:
0x0: {  	(pc) =	sbr.rel $0x88, $3  }
0x1: {  	(tag) =	ssettag $0x0;
	lr =	simm.s32 $0x1  }
0x2: {  	[smem:$0x3F9B] =	sst lr;
	_ =	strace $0xD0000000  }
0x3: {  	_ = 	snop  }
0x4: {  	_ = 	snop  }
0x5: {  	_ = 	snop  }
0x6: {  	_ = 	snop  }
0x7: {  	_ = 	snop  }
__scs_overlays_trampoline_lowered:
0x8: {  	[smem:$0x3FAA] =	sst s0  }
0x9: {  	[smem:$0x3FAB] =	sst s1  }
0xa: {  	[smem:$0x3FAC] =	sst s2  }
0xb: {  	[smem:$0x3FAD] =	sst s3  }
0xc: {  	[smem:$0x3FAE] =	sst s4  }
0xd: {  	[smem:$0x3FAF] =	sst s5  }
0xe: {  	[smem:$0x3FB0] =	sst s6  }
0xf: {  	[smem:$0x3FB1] =	sst s7  }
0x10: {  	[smem:$0x3FB2] =	sst s8  }
0x11: {  	[smem:$0x3FB3] =	sst s9;
	s0 =	simm.s32 @!p0 $0x0  }
0x12: {  	s1 =	sld [smem:$0x3F99];
	s0 =	simm.s32 @p0 $0x1  }
0x13: {  	[smem:$0x3FB4] =	sst s0;
	s0 =	simm.s32 @!p1 $0x0  }
0x14: {  	s2 =	sld [smem:$0x3F98];
	s0 =	simm.s32 @p1 $0x1  }
0x15: {  	[smem:$0x3FB5] =	sst s0;
	s0 =	simm.s32 @!p2 $0x0  }
0x16: {  	s3 =	sld [smem:$0x3FDB];
	s0 =	simm.s32 @p2 $0x1  }
0x17: {  	s4 =	simm.s32 $0x1BF5;
	[smem:$0x3FB7] =	sst s0  }
0x18: {  	s0 =	sld [smem:$0x3F9A];
	_ =	swait.ge [sflag:s4], $0x0  }
0x19: {  	s7 =	sld [smem:$0x3F9B]  }
0x1a: {  	s8 =	sadd.s32 $0xFFFFE003, lr  }
0x1b: {  	s9 =	sadd.s32 $0xFFFFFEF7, lr;
	s5 =	simm.s32 $0xFFFFFFFF;
	p2 =	slt.u32 s8, $0xFFFFF086  }
0x1c: {  	p1 =	slt.u32 s9, $0xF7A;
	s5 =	simm.s32 @!p2 $0x0  }
0x1d: {  	s5 =	simm.s32 @p1 $0x1;
	p0 =	seq.s32 s7, s2  }
0x1e: {  	s7 =	smul.u32 @!p0 $0xF7A, s2;
	p2 =	seq.s32 @!p0 s5, $0x0  }
0x1f: {  	s9 =	smul.u32 $0xF7A, s1;
	s8 =	simm.s32 @!p0 $0x1BF5;
	p2 =	por !p2, p0  }
0x20: {  	[sflag:s8] =	ssyncset.s32 @!p0 $0xFFFFF086;
	s6 =	sadd.s32 @!p0 s3, s7;
	s7 =	simm.s32 @!p0 $0x108  }
0x21: {  	s3 =	sadd.s32 s3, s9;
	s6 =	sadd.s32 @!p0 $0x88, s6;
	s7 =	simm.s32 @p2 $0x1082  }
0x22: {  	[simem:s7], [sflag:s8] =	dma.local @!p0 [hbm:s6], $0xF7A  }
0x23: {  	s9 =	sor.u32 $0xD0000000, s2;
	s6 =	simm.s32 $0x108;
	_ =	swait.ge @!p0 [sflag:s8], $0x0  }
0x24: {  	s3 =	sadd.s32 $0x88, s3;
	s6 =	simm.s32 @!p1 $0x1082;
	[sflag:s4] =	ssyncset.s32 $0xFFFFF086  }
0x25: {  	[simem:s6], [sflag:s4] =	dma.local [hbm:s3], $0xF7A  }
0x26: {  	[smem:$0x3F9B] =	sst s1;
	(tag) =	ssettag s2;
	_ =	strace s9  }
0x27: {  	s1 =	sld [smem:$0x3FAB]  }
0x28: {  	s2 =	sld [smem:$0x3FAC]  }
0x29: {  	s4 =	sld [smem:$0x3FAE]  }
0x2a: {  	p0 =	seq.s32 s5, $0x0;
	s5 =	sld [smem:$0x3FAF]  }
0x2b: {  	s6 =	sld [smem:$0x3FB0]  }
0x2c: {  	s7 =	sld [smem:$0x3FB1]  }
0x2d: {  	s3 =	simm.s32 $0x108;
	s8 =	sld [smem:$0x3FB2]  }
0x2e: {  	s3 =	simm.s32 @!p0 $0x1082;
	s9 =	sld [smem:$0x3FB3]  }
0x2f: {  	lr =	sadd.s32 s0, s3;
	s0 =	sld [smem:$0x3FAA]  }
0x30: {  	s3 =	sld [smem:$0x3FAD]  }
0x31: {  	[smem:$0x3FB6] =	sst s10  }
0x32: {  	s10 =	sld [smem:$0x3FB4];
	_ =	sdelay $0x3  }
0x33: {  	p0 =	seq.s32 s10, $0x1;
	s10 =	sld [smem:$0x3FB6];
	_ =	sdelay $0x3  }
0x34: {  	[smem:$0x3FB6] =	sst s10  }
0x35: {  	s10 =	sld [smem:$0x3FB5];
	_ =	sdelay $0x3  }
0x36: {  	p1 =	seq.s32 s10, $0x1;
	s10 =	sld [smem:$0x3FB6];
	_ =	sdelay $0x3  }
0x37: {  	[smem:$0x3FB6] =	sst s10  }
0x38: {  	s10 =	sld [smem:$0x3FB7]  }
0x39: {  	_ = 	snop;
	(pc) =	sbr.ind lr, $3  }
0x3a: {  	_ = 	snop  }
0x3b: {  	_ = 	snop  }
0x3c: {  	p2 =	seq.s32 s10, $0x1;
	s10 =	sld [smem:$0x3FB6]  }
0x3d: {  	_ =	shalt  }
0x3e: {  	_ =	shalt  }
0x3f: {  	_ =	shalt  }
0x40: {  	_ =	shalt  }
0x41: {  	_ =	shalt  }
0x42: {  	_ =	shalt  }
0x43: {  	_ =	shalt  }
0x44: {  	_ =	shalt  }
0x45: {  	_ =	shalt  }
0x46: {  	_ =	shalt  }
0x47: {  	_ =	shalt  }
0x48: {  	_ =	shalt  }
0x49: {  	_ =	shalt  }
0x4a: {  	_ =	shalt  }
0x4b: {  	_ =	shalt  }
0x4c: {  	_ =	shalt  }
0x4d: {  	_ =	shalt  }
0x4e: {  	_ =	shalt  }
0x4f: {  	_ =	shalt  }
0x50: {  	_ =	shalt  }
0x51: {  	_ =	shalt  }
0x52: {  	_ =	shalt  }
0x53: {  	_ =	shalt  }
0x54: {  	_ =	shalt  }
0x55: {  	_ =	shalt  }
0x56: {  	_ =	shalt  }
0x57: {  	_ =	shalt  }
0x58: {  	_ =	shalt  }
0x59: {  	_ =	shalt  }
0x5a: {  	_ =	shalt  }
0x5b: {  	_ =	shalt  }
0x5c: {  	_ =	shalt  }
0x5d: {  	_ =	shalt  }
0x5e: {  	_ =	shalt  }
0x5f: {  	_ =	shalt  }
0x60: {  	_ =	shalt  }
0x61: {  	_ =	shalt  }
0x62: {  	_ =	shalt  }
0x63: {  	_ =	shalt  }
0x64: {  	_ =	shalt  }
0x65: {  	_ =	shalt  }
0x66: {  	_ =	shalt  }
0x67: {  	_ =	shalt  }
0x68: {  	_ =	shalt  }
0x69: {  	_ =	shalt  }
0x6a: {  	_ =	shalt  }
0x6b: {  	_ =	shalt  }
0x6c: {  	_ =	shalt  }
0x6d: {  	_ =	shalt  }
0x6e: {  	_ =	shalt  }
0x6f: {  	_ =	shalt  }
0x70: {  	_ =	shalt  }
0x71: {  	_ =	shalt  }
0x72: {  	_ =	shalt  }
0x73: {  	_ =	shalt  }
0x74: {  	_ =	shalt  }
0x75: {  	_ =	shalt  }
0x76: {  	_ =	shalt  }
0x77: {  	_ =	shalt  }
0x78: {  	_ =	shalt  }
0x79: {  	_ =	shalt  }
0x7a: {  	_ =	shalt  }
0x7b: {  	_ =	shalt  }
0x7c: {  	_ =	shalt  }
0x7d: {  	_ =	shalt  }
0x7e: {  	_ =	shalt  }
0x7f: {  	_ =	shalt  }
0x80: {  	_ =	shalt  }
0x81: {  	_ =	shalt  }
0x82: {  	_ =	shalt  }
0x83: {  	_ =	shalt  }
0x84: {  	_ =	shalt  }
0x85: {  	_ =	shalt  }
0x86: {  	_ =	shalt  }
0x87: {  	_ =	shalt  }
.Lfunc_end0:
.L_simem_size_0:
called_computation_lowered:
.L_overlay_start_0:
0x88: {  	s2 =	sld [smem:$0x3FD9]  }
0x89: {  	s3 =	sld [smem:$0x3FFE];
	_ =	sdelay $0x1  }
0x8a: {  	s1 =	srdreg.scid  }
0x8b: {  	s0 =	sand.u32 $0x1, s1  }
0x8c: {  	s17 =	sshll.u32 s0, $0xA;
	s2 =	sadd.s32 s3, s2  }
0x8d: {  	s2 =	sadd.s32 s2, s17  }
0x8e: {  	[smem:$0x3FC2] =	sst s2  }
0x8f: {  	_ = 	snop  }
0x90: {  	s2 =	sld [smem:$0x3FC9]  }
0x91: {  	s18 =	sld [smem:$0x3FC8]  }
0x92: {  	s4 =	sld [smem:$0x3FD0];
	(tm) =	ssettm $0x1  }
0x93: {  	s5 =	sld [smem:$0x3FFB];
	_ =	sdelay $0x3  }
0x94: {  	_ =	strace s5  }
0x95: {  	s5 =	sld [smem:$0x3FFC];
	_ =	sdelay $0x3  }
0x96: {  	_ =	strace s5  }
0x97: {  	s5 =	sld [smem:$0x3FFD];
	_ =	sdelay $0x3  }
0x98: {  	_ =	strace s5  }
0x99: {  	_ =	strace $0x8FFFFFFF  }
0x9a: {  	s19 =	sld [smem:$0x3FDB];
	_ =	sdelay $0x1  }
0x9b: {  	s6 =	simm.s32 $_scs_section_size  }
0x9c: {  	s7 =	simm.s32 $_size__tile_overlayer_lowered;
	s8 =	simm.s32 $_tile_overlayer_lowered  }
0x9d: {  	s22 =	simm.s32 $0x1BFF;
	s21 =	sshll.u32 s8, $0x1;
	s5 =	sadd.s32 s6, s19  }
0x9e: {  	s9 =	simm.s32 $0x0;
	s20 =	sshll.u32 s7, $0x1;
	s7 =	sadd.s32 s21, s5  }
0x9f: {  	[timem:s9], [sflag:s22] =	dma.local [hbm:s7], s20  }
0xa0: {  	_ =	swait.ge [sflag:s22], s20  }
0xa1: {  	s6 =	ssub.s32 $0x0, s20;
	[sflag:s22] =	ssyncset.done $0x0  }
0xa2: {  	[sflag:s22] =	ssyncadd.s32 s6;
	_ =	sdelay $0x1  }
0xa3: {  	s23 =	simm.s32 $0x1B8B  }
0xa4: {  	_ =	swait.ge [sflag:s23], $0x1  }
0xa5: {  	[sflag:s23] =	ssyncset.done $0x0  }
0xa6: {  	s25 =	simm.s32 $0x1B8E;
	s24 =	sld [smem:$0x3FFE];
	[sflag:s23] =	ssyncadd.s32 $0xFFFFFFFF  }
0xa7: {  	s26 =	simm.s32 $execute0_lowered;
	[smem:$0x3FD2] =	sst s25  }
0xa8: {  	s7 =	sshll.u32 s26, $0x1;
	_ =	strace $0x80000046;
	[dreg:$0x1] =	wrdreg $0xFFFFFFFF  }
0xa9: {  	s28 =	simm.s32 $_size_execute0_lowered;
	s5 =	sadd.s32 s5, s7;
	[dreg:$0x0] =	wrdreg $0x0  }
0xaa: {  	s7 =	sshll.u32 s28, $0x1;
	[dreg:$0x2] =	wrdreg s5  }
0xab: {  	[dreg:$0x3] =	wrdreg s7  }
0xac: {  	[dreg:$0x4] =	wrdreg $0xC0  }
0xad: {  	_ =	task [dreg:s9], $0x5FFFF  }
0xae: {  	[dreg:$0x1] =	wrdreg $0xFFFFFFFF  }
0xaf: {  	[dreg:$0x0] =	wrdreg $0x60  }
0xb0: {  	[dreg:$0x2] =	wrdreg s2  }
0xb1: {  	[dreg:$0x3] =	wrdreg s18  }
0xb2: {  	[dreg:$0x4] =	wrdreg s24  }
0xb3: {  	[dreg:$0x5] =	wrdreg s4  }
0xb4: {  	[dreg:$0x6] =	wrdreg $0x8A000  }
0xb5: {  	[dreg:$0x7] =	wrdreg $0x9  }
0xb6: {  	_ =	task.clear_ibuf [dreg:s9], $0x8FFFF;
	_ =	strace $0x90000046  }
0xb7: {  	s29 =	simm.s32 $0x9;
	_ =	strace $0x80000048  }
0xb8: {  	_ =	swait.ge [sflag:s29], $0x1  }
0xb9: {  	[sflag:s29] =	ssyncadd.s32 $0xFFFFFFFF  }
0xba: {  	_ =	strace $0x90000048  }
0xbb: {  	_ =	sfence  }
0xbc: {  	s30 =	sld [smem:$0x0];
	_ =	sdelay $0x2  }
0xbd: {  	s31 =	sshll.u32 s1, $0xD;
	s1 =	sshrl.u32 s1, $0x2  }
0xbe: {  	s3 =	sand.u32 $0x4000, s31;
	s1 =	sadd.s32 s1, s30  }
0xbf: {  	s0 =	sor.u32 s3, s0;
	s1 =	sshll.u32 s1, $0x11  }
0xc0: {  	s0 =	sor.u32 s1, s0  }
0xc1: {  	s0 =	sadd.s32 $0x8F2B, s0  }
0xc2: {  	[sflag:s0] =	ssyncadd.remote.s32 $0x1  }
0xc3: {  	_ =	sfence.sel $0xFFFF  }
0xc4: {  	[dreg:$0x0] =	wrdreg $0xFFFFFFFF;
	(pc) =	sbr.abs _section_cstart, $3  }
0xc5: {  	[dreg:$0x1] =	wrdreg $0xFFFFFFFF  }
0xc6: {  	_ =	task.clear_ibuf [dreg:s9], $0x2FFFF;
	_ =	strace $0x9FFFFFFF  }
0xc7: {  	(tm) =	ssettm $0x7FFFFFFF  }
tec
execute0_lowered:
.L_overlay_start_1:
0x0: {  	(tag) =	ssettag $0x1  }
0x1: {  	s0 =	rddreg [dreg:$0x0]  }
0x2: {  	s9 =	rddreg [dreg:$0x1]  }
0x3: {  	s1 =	rddreg [dreg:$0x2]  }
0x4: {  	s11 =	rddreg [dreg:$0x3]  }
0x5: {  	s10 =	rddreg [dreg:$0x4];
	s2 =	simm.s32 $0x0;
	s4 =	srdreg.scid  }
0x6: {  	s15 =	simm.s32 $0x400;
	s16 =	simm.s32 $0x2400;
	s17 =	simm.s32 $0x8400  }
0x7: {  	s18 =	simm.s32 $0x8600;
	s19 =	simm.s32 $0x6400;
	s20 =	simm.s32 $0x3  }
0x8: {  	s21 =	simm.s32 $0x4;
	s22 =	simm.s32 $0x1;
	s23 =	simm.s32 $0x2  }
0x9: {  	s24 =	simm.s32 $0x8800;
	s25 =	simm.s32 $0x5;
	s26 =	simm.s32 $0x2000  }
0xa: {  	s28 =	simm.s32 $0x4400;
	s29 =	simm.s32 $0x0;
	s3 =	sadd.s32 $0x112AE00, s1  }
0xb: {  	[smem:$0x7FF] =	sst s2;
	s5 =	sadd.s32 $0xF42800, s1;
	s6 =	sadd.s32 $0x1EE00, s1  }
0xc: {  	s8 =	sand.u32 $0x1, s4;
	s7 =	sadd.s32 $0x400, s1;
	s4 =	stileid.u32  }
0xd: {  	_ =	strace $0x80000047;
	s12 =	ssub.s32 $0x2, s8;
	s14 =	sshll.u32 s4, $0x7  }
0xe: {  	s8 =	sshll.u32 s8, $0x6;
	s31 =	sshll.u32 s4, $0x9;
	s13 =	sshrl.u32 s12, $0x1  }
0xf: {  	s30 =	sor.u32 s8, s14;
	s10 =	sadd.s32 s31, s10;
	s14 =	simm.s32 $0x200  }
0x10: {  	s12 =	ssub.s32 s12, s13;
	s8 =	sadd.s32 s0, s30;
	s9 =	sadd.s32 s9, s30  }
0x11: {  	s11 =	sadd.s32 s11, s30;
	s13 =	simm.s32 $0x6;
	s12 =	smax.u32 s12, $0x1  }
.LBB2_1:
0x12: {  	[tilespmem:s2], [sflag:$0x6] =	stream.linear.gather [hbm4b:s8+s2], $0x200, $0x38;
	[tilespmem:$0x8C00] =	vst v63  }
0x13: {  	_ =	swait.ge [sflag:s13], $0x200  }
0x14: {  	[sflag:s13] =	ssyncset.done $0x0  }
0x15: {  	[sflag:s13] =	ssyncadd.s32 $0xFFFFFE00  }
0x16: {  	[tilespmem:s14], [sflag:$0x6] =	stream.linear.gather [hbm4b:s9+s2], $0x200, $0x38;
	[tilespmem:$0x8C00] =	vst v63  }
0x17: {  	_ =	swait.ge [sflag:s13], $0x200  }
0x18: {  	[sflag:s13] =	ssyncset.done $0x0  }
0x19: {  	[sflag:s13] =	ssyncadd.s32 $0xFFFFFE00  }
0x1a: {  	[tilespmem:s15], [sflag:$0x1] =	stream.indirect.gather [hbm4b:s3+s14], $0x10, s2, s14, $0xb8;
	[tilespmem:$0x8C00] =	vst v63  }
0x1b: {  	_ = 	snop  }
0x1c: {  	[tilespmem:s16], [sflag:$0x2] =	stream.indirect.gather [hbm4b:s5+s14], $0x10, s14, s14, $0xb8;
	[tilespmem:$0x8C00] =	vst v63  }
0x1d: {  	_ = 	snop  }
0x1e: {  	[tilespmem:s17], [sflag:$0x3] =	stream.indirect.gather [hbm4b:s6+s14], $0x1, s2, s14, $0xb8;
	[tilespmem:$0x8C00] =	vst v63  }
0x1f: {  	_ = 	snop  }
0x20: {  	[tilespmem:s18], [sflag:$0x4] =	stream.indirect.gather [hbm4b:s7+s14], $0x1, s14, s14, $0xb8;
	[tilespmem:$0x8C00] =	vst v63  }
0x21: {  	_ = 	snop  }
0x22: {  	[tilespmem:s19], [sflag:$0x5] =	stream.linear.gather [hbm4b:s1+s2], $0x2000, $0x38;
	[tilespmem:$0x8C00] =	vst v63  }
0x23: {  	_ =	swait.ge [sflag:s20], $0x200  }
0x24: {  	[sflag:s20] =	ssyncset.done $0x0  }
0x25: {  	[sflag:s20] =	ssyncadd.s32 $0xFFFFFE00  }
0x26: {  	_ =	swait.ge [sflag:s21], $0x200  }
0x27: {  	[sflag:s21] =	ssyncset.done $0x0  }
0x28: {  	s0 =	simm.s32 $0x0;
	[sflag:s21] =	ssyncadd.s32 $0xFFFFFE00  }
0x29: {  	v0 =	vld [tilespmem:s0+$0x8400]  }
0x2a: {  	v1 =	vld [tilespmem:s0+$0x8600];
	_ =	sdelay $0x2  }
0x2b: {  	s30 =	simm.s32 $0x40  }
.LBB2_2:
0x2c: {  	s31 =	sshra.s32 s30, $0x2;
	p0 =	sne.s32 s30, $0x7C0  }
.Ltmp0:
0x2d: {  	s30 =	sadd.s32 $0x40, s30;
	v2 =	vadd.f32 v1, v0;
	v0 =	vld [tilespmem:s31+$0x8400];
	(pc) =	sbr.rel @p0 .LBB2_2-.Ltmp0, $3  }
0x2e: {  	v1 =	vld [tilespmem:s31+$0x8600]  }
0x2f: {  	v2 =	vadd.f32 $3.500000000e+00, v2;
	_ =	sdelay $0x1  }
0x30: {  	[tilespmem:s0+$0x8800] =	vst v2;
	s0 =	smov.u32 s31  }
0x31: {  	_ = 	snop  }
0x32: {  	v0 =	vadd.f32 v1, v0;
	_ =	sdelay $0x1  }
0x33: {  	v0 =	vadd.f32 $3.500000000e+00, v0;
	_ =	sdelay $0x1  }
0x34: {  	[tilespmem:s0+$0x8800] =	vst v0  }
0x35: {  	_ =	swait.ge [sflag:s22], $0x2000  }
0x36: {  	[sflag:s22] =	ssyncset.done $0x0  }
0x37: {  	[sflag:s22] =	ssyncadd.s32 $0xFFFFE000  }
0x38: {  	_ =	swait.ge [sflag:s23], $0x2000  }
0x39: {  	[sflag:s23] =	ssyncset.done $0x0  }
0x3a: {  	s30 =	simm.s32 $0x0;
	[sflag:s23] =	ssyncadd.s32 $0xFFFFE000  }
0x3b: {  	v0 =	vld [tilespmem:s30+$0x4F0]  }
0x3c: {  	v1 =	vld [tilespmem:s30+$0x24F0]  }
0x3d: {  	v2 =	vld [tilespmem:s30+$0x400]  }
0x3e: {  	v3 =	vld [tilespmem:s30+$0x2400]  }
0x3f: {  	v4 =	vld [tilespmem:s30+$0x410]  }
0x40: {  	v5 =	vld [tilespmem:s30+$0x2410]  }
0x41: {  	v6 =	vld [tilespmem:s30+$0x420]  }
0x42: {  	v7 =	vld [tilespmem:s30+$0x430]  }
0x43: {  	v0 =	vmul.f32 v1, v0;
	v1 =	vld [tilespmem:s30+$0x2420]  }
0x44: {  	v2 =	vmul.f32 v3, v2;
	v3 =	vld [tilespmem:s30+$0x440]  }
0x45: {  	[tilespmem:s30+$0x44F0] =	vst v0;
	v0 =	vld [tilespmem:s30+$0x2430]  }
0x46: {  	[tilespmem:s30+$0x4400] =	vst v2;
	v2 =	vmul.f32 v5, v4;
	v4 =	vld [tilespmem:s30+$0x2440]  }
0x47: {  	v5 =	vld [tilespmem:s30+$0x2450]  }
0x48: {  	[tilespmem:s30+$0x4410] =	vst v2;
	v2 =	vld [tilespmem:s30+$0x450];
	v1 =	vmul.f32 v1, v6  }
0x49: {  	v6 =	vld [tilespmem:s30+$0x2460]  }
0x4a: {  	[tilespmem:s30+$0x4420] =	vst v1;
	v0 =	vmul.f32 v0, v7;
	v1 =	vld [tilespmem:s30+$0x460]  }
0x4b: {  	v7 =	vld [tilespmem:s30+$0x24B0]  }
0x4c: {  	[tilespmem:s30+$0x4430] =	vst v0;
	v0 =	vmul.f32 v4, v3;
	v3 =	vld [tilespmem:s30+$0x470]  }
0x4d: {  	v4 =	vld [tilespmem:s30+$0x2470]  }
0x4e: {  	[tilespmem:s30+$0x4440] =	vst v0;
	v0 =	vmul.f32 v5, v2;
	v2 =	vld [tilespmem:s30+$0x480]  }
0x4f: {  	v5 =	vld [tilespmem:s30+$0x2480]  }
0x50: {  	[tilespmem:s30+$0x4450] =	vst v0;
	v0 =	vmul.f32 v6, v1;
	v1 =	vld [tilespmem:s30+$0x490]  }
0x51: {  	v6 =	vld [tilespmem:s30+$0x2490]  }
0x52: {  	[tilespmem:s30+$0x4460] =	vst v0;
	v0 =	vmul.f32 v4, v3;
	v3 =	vld [tilespmem:s30+$0x4A0]  }
0x53: {  	v4 =	vld [tilespmem:s30+$0x24A0]  }
0x54: {  	[tilespmem:s30+$0x4470] =	vst v0;
	v0 =	vmul.f32 v5, v2;
	v5 =	vld [tilespmem:s30+$0x4B0]  }
0x55: {  	v8 =	vld [tilespmem:s30+$0x24C0]  }
0x56: {  	[tilespmem:s30+$0x4480] =	vst v0;
	v0 =	vmul.f32 v6, v1;
	v6 =	vld [tilespmem:s30+$0x4C0]  }
0x57: {  	v2 =	vld [tilespmem:s30+$0x4D0]  }
0x58: {  	[tilespmem:s30+$0x4490] =	vst v0;
	v0 =	vmul.f32 v4, v3;
	v3 =	vld [tilespmem:s30+$0x24D0]  }
0x59: {  	v4 =	vld [tilespmem:s30+$0x24E0];
	v5 =	vmul.f32 v7, v5  }
0x5a: {  	s0 =	simm.s32 $0x100;
	[tilespmem:s30+$0x44A0] =	vst v0;
	v0 =	vld [tilespmem:s30+$0x4E0]  }
0x5b: {  	s31 =	simm.s32 $0x800;
	v1 =	vld [tilespmem:s0+$0x4F0];
	[tilespmem:s30+$0x44B0] =	vst v5;
	v5 =	vmul.f32 v8, v6  }
.LBB2_4:
0x5c: {  	p0 =	sne.s32 s31, $0x7C00;
	v6 =	vld [tilespmem:s0+$0x24F0]  }
0x5d: {  	v7 =	vld [tilespmem:s0+$0x400];
	[tilespmem:s30+$0x44C0] =	vst v5;
	v2 =	vmul.f32 v3, v2  }
0x5e: {  	v3 =	vld [tilespmem:s0+$0x2400]  }
0x5f: {  	v5 =	vld [tilespmem:s0+$0x410];
	[tilespmem:s30+$0x44D0] =	vst v2;
	v0 =	vmul.f32 v4, v0  }
0x60: {  	v2 =	vld [tilespmem:s0+$0x2410]  }
0x61: {  	v4 =	vld [tilespmem:s0+$0x420];
	v1 =	vmul.f32 v6, v1;
	[tilespmem:s30+$0x44E0] =	vst v0;
	s30 =	smov.u32 s0  }
0x62: {  	v0 =	vld [tilespmem:s30+$0x2420]  }
0x63: {  	v3 =	vmul.f32 v3, v7;
	v6 =	vld [tilespmem:s30+$0x430];
	[tilespmem:s30+$0x44F0] =	vst v1  }
0x64: {  	v1 =	vld [tilespmem:s30+$0x2430]  }
0x65: {  	[tilespmem:s30+$0x4400] =	vst v3;
	v2 =	vmul.f32 v2, v5;
	v3 =	vld [tilespmem:s30+$0x440]  }
0x66: {  	v5 =	vld [tilespmem:s30+$0x2440]  }
0x67: {  	[tilespmem:s30+$0x4410] =	vst v2;
	v0 =	vmul.f32 v0, v4;
	v2 =	vld [tilespmem:s30+$0x450]  }
0x68: {  	v4 =	vld [tilespmem:s30+$0x2450]  }
0x69: {  	[tilespmem:s30+$0x4420] =	vst v0;
	v0 =	vmul.f32 v1, v6;
	v1 =	vld [tilespmem:s30+$0x460]  }
0x6a: {  	v6 =	vld [tilespmem:s30+$0x2460]  }
0x6b: {  	[tilespmem:s30+$0x4430] =	vst v0;
	v0 =	vmul.f32 v5, v3;
	v3 =	vld [tilespmem:s30+$0x470]  }
0x6c: {  	v5 =	vld [tilespmem:s30+$0x2470]  }
0x6d: {  	[tilespmem:s30+$0x4440] =	vst v0;
	v0 =	vmul.f32 v4, v2;
	v2 =	vld [tilespmem:s30+$0x480]  }
0x6e: {  	v4 =	vld [tilespmem:s30+$0x2480]  }
0x6f: {  	[tilespmem:s30+$0x4450] =	vst v0;
	v0 =	vmul.f32 v6, v1;
	v1 =	vld [tilespmem:s30+$0x490]  }
0x70: {  	v6 =	vld [tilespmem:s30+$0x2490]  }
0x71: {  	[tilespmem:s30+$0x4460] =	vst v0;
	v0 =	vmul.f32 v5, v3;
	v3 =	vld [tilespmem:s30+$0x4A0]  }
0x72: {  	v5 =	vld [tilespmem:s30+$0x24A0]  }
0x73: {  	[tilespmem:s30+$0x4470] =	vst v0;
	v0 =	vmul.f32 v4, v2;
	v4 =	vld [tilespmem:s30+$0x4B0]  }
0x74: {  	v7 =	vld [tilespmem:s30+$0x24B0]  }
0x75: {  	[tilespmem:s30+$0x4480] =	vst v0;
	v0 =	vmul.f32 v6, v1;
	v6 =	vld [tilespmem:s30+$0x4C0]  }
0x76: {  	v8 =	vld [tilespmem:s30+$0x24C0]  }
.Ltmp1:
0x77: {  	[tilespmem:s30+$0x4490] =	vst v0;
	v0 =	vmul.f32 v5, v3;
	v2 =	vld [tilespmem:s30+$0x4D0];
	(pc) =	sbr.rel @p0 .LBB2_4-.Ltmp1, $4  }
0x78: {  	v3 =	vld [tilespmem:s30+$0x24D0]  }
0x79: {  	[tilespmem:s30+$0x44A0] =	vst v0;
	v5 =	vmul.f32 v7, v4;
	v0 =	vld [tilespmem:s30+$0x4E0]  }
0x7a: {  	s0 =	sshra.s32 s31, $0x2;
	v4 =	vld [tilespmem:s30+$0x24E0]  }
0x7b: {  	s31 =	sadd.s32 $0x400, s31;
	v1 =	vld [tilespmem:s0+$0x4F0];
	[tilespmem:s30+$0x44B0] =	vst v5;
	v5 =	vmul.f32 v8, v6  }
0x7c: {  	v6 =	vld [tilespmem:s0+$0x24F0]  }
0x7d: {  	v7 =	vld [tilespmem:s0+$0x400];
	[tilespmem:s30+$0x44C0] =	vst v5;
	v2 =	vmul.f32 v3, v2  }
0x7e: {  	v28 =	vld [tilespmem:s0+$0x2400]  }
0x7f: {  	v5 =	vld [tilespmem:s0+$0x410];
	[tilespmem:s30+$0x44D0] =	vst v2;
	v0 =	vmul.f32 v4, v0  }
0x80: {  	v2 =	vld [tilespmem:s0+$0x2410]  }
0x81: {  	v29 =	vld [tilespmem:s0+$0x420];
	[tilespmem:s30+$0x44E0] =	vst v0  }
0x82: {  	v31 =	vld [tilespmem:s0+$0x2420]  }
0x83: {  	v32 =	vld [tilespmem:s0+$0x430]  }
0x84: {  	v33 =	vld [tilespmem:s0+$0x2430]  }
0x85: {  	v34 =	vld [tilespmem:s0+$0x440]  }
0x86: {  	v35 =	vld [tilespmem:s0+$0x2440]  }
0x87: {  	v36 =	vld [tilespmem:s0+$0x450]  }
0x88: {  	v37 =	vld [tilespmem:s0+$0x2450]  }
0x89: {  	v38 =	vld [tilespmem:s0+$0x460]  }
0x8a: {  	v39 =	vld [tilespmem:s0+$0x2460]  }
0x8b: {  	v41 =	vld [tilespmem:s0+$0x470]  }
0x8c: {  	v42 =	vld [tilespmem:s0+$0x2470]  }
0x8d: {  	v44 =	vld [tilespmem:s0+$0x480]  }
0x8e: {  	v45 =	vld [tilespmem:s0+$0x2480]  }
0x8f: {  	v47 =	vld [tilespmem:s0+$0x490]  }
0x90: {  	v30 =	vmul.f32 v6, v1;
	v48 =	vld [tilespmem:s0+$0x2490]  }
0x91: {  	v50 =	vld [tilespmem:s0+$0x4A0];
	v3 =	vmul.f32 v28, v7  }
0x92: {  	v51 =	vld [tilespmem:s0+$0x24A0];
	[tilespmem:s0+$0x44F0] =	vst v30;
	v2 =	vmul.f32 v2, v5  }
0x93: {  	v53 =	vld [tilespmem:s0+$0x4B0];
	[tilespmem:s0+$0x4400] =	vst v3;
	v1 =	vmul.f32 v31, v29  }
0x94: {  	v54 =	vld [tilespmem:s0+$0x24B0];
	[tilespmem:s0+$0x4410] =	vst v2;
	v0 =	vmul.f32 v33, v32  }
0x95: {  	v56 =	vld [tilespmem:s0+$0x4C0];
	v40 =	vmul.f32 v35, v34;
	[tilespmem:s0+$0x4420] =	vst v1  }
0x96: {  	v57 =	vld [tilespmem:s0+$0x24C0];
	v43 =	vmul.f32 v37, v36;
	[tilespmem:s0+$0x4430] =	vst v0  }
0x97: {  	v59 =	vld [tilespmem:s0+$0x4D0];
	v46 =	vmul.f32 v39, v38;
	[tilespmem:s0+$0x4440] =	vst v40  }
0x98: {  	v60 =	vld [tilespmem:s0+$0x24D0];
	v49 =	vmul.f32 v42, v41;
	[tilespmem:s0+$0x4450] =	vst v43  }
0x99: {  	v61 =	vld [tilespmem:s0+$0x4E0];
	v52 =	vmul.f32 v45, v44;
	[tilespmem:s0+$0x4460] =	vst v46  }
0x9a: {  	v62 =	vld [tilespmem:s0+$0x24E0];
	v55 =	vmul.f32 v48, v47;
	[tilespmem:s0+$0x4470] =	vst v49  }
0x9b: {  	v58 =	vmul.f32 v51, v50;
	[tilespmem:s0+$0x4480] =	vst v52  }
0x9c: {  	v2 =	vmul.f32 v54, v53;
	[tilespmem:s0+$0x4490] =	vst v55  }
0x9d: {  	v63 =	vmul.f32 v60, v59;
	[tilespmem:s0+$0x44A0] =	vst v58  }
0x9e: {  	v1 =	vmul.f32 v57, v56;
	[tilespmem:s0+$0x44B0] =	vst v2  }
0x9f: {  	v0 =	vmul.f32 v62, v61;
	[tilespmem:s0+$0x44D0] =	vst v63  }
0xa0: {  	[tilespmem:s0+$0x44C0] =	vst v1  }
0xa1: {  	[tilespmem:s0+$0x44E0] =	vst v0  }
0xa2: {  	[spmem:s10] =	stream.linear.scatter [tilespmem:s24], [sflag:$0x6], $0x200, $0x38;
	[tilespmem:$0x8C00] =	vst v63  }
0xa3: {  	_ =	swait.ge [sflag:s13], $0x200  }
0xa4: {  	[sflag:s13] =	ssyncset.done $0x0  }
0xa5: {  	[sflag:s13] =	ssyncadd.s32 $0xFFFFFE00  }
0xa6: {  	_ =	swait.ge [sflag:s25], $0x2000  }
0xa7: {  	[sflag:s25] =	ssyncset.done $0x0  }
0xa8: {  	[sflag:s25] =	ssyncadd.s32 $0xFFFFE000  }
0xa9: {  	[spmem:s10] =	stream.indirect.scatter.add.f32 [tilespmem:s28], [sflag:$0x6], $0x1, s19, s26, $0xb8;
	[tilespmem:$0x8C00] =	vst v63  }
0xaa: {  	s31 =	sshrl.u32 s10, $0x3;
	s29 =	sadd.s32 $0x1, s29;
	_ =	swait.ge [sflag:s13], $0x2000  }
0xab: {  	p0 =	sne.s32 s29, s12;
	s30 =	sshll.u32 s4, $0x6;
	[sflag:s13] =	ssyncset.done $0x0  }
.Ltmp2:
0xac: {  	s0 =	sor.u32 $0x1C06, s30;
	[sflag:s13] =	ssyncadd.s32 $0xFFFFE000;
	(pc) =	sbr.rel @p0 .LBB2_1-.Ltmp2, $4  }
0xad: {  	[hbm:s11], [sflag:s0] =	dma.local [spmem:s31], $0x40  }
0xae: {  	_ =	swait.ge [sflag:s13], $0x40  }
0xaf: {  	[sflag:s13] =	ssyncset.done $0x0  }
0xb0: {  	[sflag:s13] =	ssyncadd.s32 $0xFFFFFFC0  }
0xb1: {  	_ =	sfence.sel $0x180000  }
0xb2: {  	[bflag:$0x0] =	sbarrier.arrive $0xFFFF  }
0xb3: {  	_ =	strace $0x90000047  }
0xb4: {  	[bflag:$0x2] =	sbarrier.arrive $0xFFFF  }
0xb5: {  	p0 =	sne.s32 s4, $0x0;
	s0 =	rddreg [dreg:$0x5]  }
0xb6: {  	s0 =	sadd.s32 @!p0 $0x100000, s0  }
0xb7: {  	[sflag:s0] =	ssyncadd.tile.s32 @!p0 $0x1;
	_ =	shalt  }
.Lfunc_end2:
_tile_overlayer_lowered:
.L_overlay_start_2:
0xb8: {  	(tag) =	ssettag $0x2  }
0xb9: {  	s0 =	rddreg [dreg:$0x0];
	s2 =	stileid.u32  }
0xba: {  	s1 =	rddreg [dreg:$0x1];
	p0 =	sne.s32 s2, $0x0  }
0xbb: {  	s3 =	rddreg [dreg:$0x2];
	[bflag:$0x3] =	sbarrier.arrive $0xFFFF;
	s2 =	simm.s32 @!p0 $0x1C06  }
0xbc: {  	[timem:s3], [sflag:s2] =	dma.local @!p0 [hbm:s0], s1  }
0xbd: {  	s0 =	simm.s32 @!p0 $0x6  }
0xbe: {  	_ =	swait.ge @!p0 [sflag:s0], s1  }
0xbf: {  	s1 =	ssub.s32 @!p0 $0x0, s1;
	[sflag:s0] =	ssyncset.done @!p0 $0x0  }
0xc0: {  	[sflag:s0] =	ssyncadd.s32 @!p0 s1  }
0xc1: {  	[bflag:$0x3] =	sbarrier.arrive $0xFFFF  }
0xc2: {  	_ =	shalt  }

</sc_bundles>
